<compile_context>
chip_gen: v7x
topology: tpu7x:2x2x1
jax: 0.10.2.dev20260603
libtpu: 0.0.44.dev20260713+nightly
codegen_flags: <defaults>
</compile_context>

<pallas_src>
import jax
import jax.numpy as jnp
from jax import lax
from jax.experimental import pallas as pl
from jax.experimental.pallas import tpu as pltpu
from jax.experimental.pallas import tpu_sc as plsc

B = 16384
F = 128

_NC = 2
_NS = 16
_NW = _NC * _NS
_IDX_W = 128
_NROWS = B // _IDX_W
_ROWS_PW = _NROWS // _NW


_H = _ROWS_PW // 2


def _sc_gather(ts_hbm, ids_hbm, out_hbm, idx_v, rows_v, sem_i, sem_g, sem_w):
    wid = lax.axis_index("s") * _NC + lax.axis_index("c")
    base = wid * _ROWS_PW
    ci0 = pltpu.async_copy(ids_hbm.at[pl.ds(base, _H)], idx_v.at[pl.ds(0, _H)], sem_i)
    ci1 = pltpu.async_copy(ids_hbm.at[pl.ds(base + _H, _H)], idx_v.at[pl.ds(_H, _H)], sem_i)
    ci0.wait()
    g0 = [pltpu.async_copy(ts_hbm.at[idx_v.at[j]], rows_v.at[j], sem_g) for j in range(_H)]
    ci1.wait()
    g1 = [pltpu.async_copy(ts_hbm.at[idx_v.at[_H + j]], rows_v.at[_H + j], sem_g) for j in range(_H)]
    for c in g0:
        c.wait()
    w0 = pltpu.async_copy(rows_v.at[pl.ds(0, _H)], out_hbm.at[pl.ds(base, _H)], sem_w)
    for c in g1:
        c.wait()
    w1 = pltpu.async_copy(rows_v.at[pl.ds(_H, _H)], out_hbm.at[pl.ds(base + _H, _H)], sem_w)
    w0.wait()
    w1.wait()


def _gather_shifts(time_shifts, ids2d):
    mesh = plsc.VectorSubcoreMesh(core_axis_name="c", subcore_axis_name="s")
    fn = pl.kernel(
        _sc_gather,
        out_type=jax.ShapeDtypeStruct((_NROWS, _IDX_W), jnp.float32),
        mesh=mesh,
        scratch_types=[
            pltpu.VMEM((_ROWS_PW, _IDX_W), jnp.int32),
            pltpu.VMEM((_ROWS_PW, _IDX_W), jnp.float32),
            pltpu.SemaphoreType.DMA,
            pltpu.SemaphoreType.DMA,
            pltpu.SemaphoreType.DMA,
        ],
    )
    return fn(time_shifts, ids2d)


_R = 8192
_RC = _R // _IDX_W


def _dense_body(t_ref, sh_ref, k_ref, x0_ref, o_ref):
    s = t_ref[...] + sh_ref[...]
    st = s.T
    hkv = 0.5 * jnp.exp(k_ref[...])
    hkx0 = hkv * x0_ref[...]
    for j in range(_RC):
        col = lax.slice(st, (0, j), (F, j + 1))
        o_ref[pl.ds(j * F, F), :] = 0.5 * jnp.tanh(hkv * col - hkx0) + 0.5


def _dense(t2d, sh2d, k2, x02):
    return pl.pallas_call(
        _dense_body,
        grid=(B // _R,),
        in_specs=[
            pl.BlockSpec((_RC, _IDX_W), lambda i: (i, 0)),
            pl.BlockSpec((_RC, _IDX_W), lambda i: (i, 0)),
            pl.BlockSpec((1, F), lambda i: (0, 0)),
            pl.BlockSpec((1, F), lambda i: (0, 0)),
        ],
        out_specs=pl.BlockSpec((_R, F), lambda i: (i, 0)),
        out_shape=jax.ShapeDtypeStruct((B, F), jnp.float32),
    )(t2d, sh2d, k2, x02)


def kernel(t, participant_ids, log_k_values, x0_values, time_shifts):
    ids2d = participant_ids.astype(jnp.int32).reshape(_NROWS, _IDX_W)
    shift2d = _gather_shifts(time_shifts, ids2d)
    return _dense(
        t.reshape(_NROWS, _IDX_W),
        shift2d,
        log_k_values.reshape(1, F),
        x0_values.reshape(1, F),
    )

# --- scband reference (transcript-rebuilt; emitter-appended) ---
"""Pipeline reference for scband-logistic-regression-model-with-shift-46445776339719 (READ-ONLY COPY).

The authoritative reference and input builder live on the scoring server;
editing this copy changes nothing except your own understanding.
"""

import jax, jax.numpy as jnp
import numpy as np

N_PARTICIPANTS = 100000
N_FEATURES = 128
BATCH = 16384


def setup_inputs(seed: int = 0) -> dict:
    key = jax.random.key(seed)
    k_t, k_ids, k_logk, k_x0, k_ts = jax.random.split(key, 5)
    t = jax.random.uniform(k_t, (BATCH,), dtype=jnp.float32)
    participant_ids = jax.random.randint(k_ids, (BATCH,), 0, N_PARTICIPANTS, dtype=jnp.int64)
    log_k_values = jax.random.normal(k_logk, (N_FEATURES,), dtype=jnp.float32)
    x0_values = jax.random.normal(k_x0, (N_FEATURES,), dtype=jnp.float32)
    time_shifts = jnp.zeros((N_PARTICIPANTS,), dtype=jnp.float32)
    return {
        "t": t,
        "participant_ids": participant_ids,
        "log_k_values": log_k_values,
        "x0_values": x0_values,
        "time_shifts": time_shifts,
    }


def reference(t, participant_ids, log_k_values, x0_values, time_shifts):
    # _get_time_shift_idx reduces to direct indexing when ids are already dense indices
    shifted_t = jnp.squeeze(t) + jnp.take(time_shifts, participant_ids, axis=0)
    k_values = jnp.exp(log_k_values)
    linear_combination = k_values * (shifted_t.reshape(-1, 1) - x0_values)
    output = jax.nn.sigmoid(linear_combination)
    return output

if __name__ == "__main__":
    import jax
    _d = setup_inputs()
    print(jax.jit(kernel)(*tuple(_d.values())))

</pallas_src>

<mosaic_0001>
#map = affine_map<(d0, d1) -> (0)>
#map1 = affine_map<(d0, d1) -> (0, 0)>
module attributes {stable_mosaic.version = 14 : i64} {
  func.func @_sc_gather(%arg0: i32, %arg1: i32, %arg2: memref<100000xf32, #tpu.memory_space<hbm>>, %arg3: memref<128x128xi32, #tpu.memory_space<hbm>>, %arg4: memref<128x128xf32, #tpu.memory_space<hbm>>, %arg5: memref<4x128xi32, #tpu.memory_space<vmem>>, %arg6: memref<4x128xf32, #tpu.memory_space<vmem>>, %arg7: memref<!tpu.dma_semaphore, #tpu.memory_space<semaphore_mem>>, %arg8: memref<!tpu.dma_semaphore, #tpu.memory_space<semaphore_mem>>, %arg9: memref<!tpu.dma_semaphore, #tpu.memory_space<semaphore_mem>>) attributes {dimension_semantics = [#tpu.dimension_semantics<core_parallel>, #tpu.dimension_semantics<subcore_parallel>], iteration_bounds = array<i64: 2, 16>, scalar_prefetch = 0 : i64, scratch_operands = 5 : i64, tpu.core_type = #tpu.core_type<sc_vector_subcore>, window_params = [{transform_indices = #map}, {transform_indices = #map1}, {transform_indices = #map1}]} {
    %mul3A = arith.constant 2 : i32
    %mul3A_0 = arith.muli %arg1, %mul3A : i32
    %add3A = arith.addi %mul3A_0, %arg0 : i32
    %mul3A_1 = arith.constant 4 : i32
    %mul3A_2 = arith.muli %add3A, %mul3A_1 : i32
    %dma_start3A = arith.constant 0 : i32
    %dma_start3A_3 = arith.constant 0 : i32
    %dma_start3A_4 = tpu.memref_slice %arg5[%dma_start3A, %dma_start3A_3] : memref<4x128xi32, #tpu.memory_space<vmem>> -> memref<2x128xi32, #tpu.memory_space<vmem>>
    %dma_start3A_5 = arith.constant 0 : i32
    %dma_start3A_6 = tpu.memref_slice %arg3[%mul3A_2, %dma_start3A_5] : memref<128x128xi32, #tpu.memory_space<hbm>> -> memref<2x128xi32, #tpu.memory_space<hbm>>
    %dma_start3A_7 = arith.constant 0 : i32
    %dma_start3A_8 = arith.constant 0 : i32
    %dma_start3A_9 = tpu.memref_slice %arg5[%dma_start3A_7, %dma_start3A_8] : memref<4x128xi32, #tpu.memory_space<vmem>> -> memref<2x128xi32, #tpu.memory_space<vmem>>
    %dma_start3A_10 = arith.constant 0 : i32
    %dma_start3A_11 = tpu.memref_slice %arg3[%mul3A_2, %dma_start3A_10] : memref<128x128xi32, #tpu.memory_space<hbm>> -> memref<2x128xi32, #tpu.memory_space<hbm>>
    tpu.enqueue_dma source(%dma_start3A_11 : memref<2x128xi32, #tpu.memory_space<hbm>>) target(%dma_start3A_9 : memref<2x128xi32, #tpu.memory_space<vmem>>) target_semaphore(%arg7 : memref<!tpu.dma_semaphore, #tpu.memory_space<semaphore_mem>>)
    %add3A_12 = arith.constant 2 : i32
    %add3A_13 = arith.addi %mul3A_2, %add3A_12 : i32
    %dma_start3A_14 = arith.constant 2 : i32
    %dma_start3A_15 = arith.constant 0 : i32
    %dma_start3A_16 = tpu.memref_slice %arg5[%dma_start3A_14, %dma_start3A_15] : memref<4x128xi32, #tpu.memory_space<vmem>> -> memref<2x128xi32, #tpu.memory_space<vmem>>
    %dma_start3A_17 = arith.constant 0 : i32
    %dma_start3A_18 = tpu.memref_slice %arg3[%add3A_13, %dma_start3A_17] : memref<128x128xi32, #tpu.memory_space<hbm>> -> memref<2x128xi32, #tpu.memory_space<hbm>>
    %dma_start3A_19 = arith.constant 2 : i32
    %dma_start3A_20 = arith.constant 0 : i32
    %dma_start3A_21 = tpu.memref_slice %arg5[%dma_start3A_19, %dma_start3A_20] : memref<4x128xi32, #tpu.memory_space<vmem>> -> memref<2x128xi32, #tpu.memory_space<vmem>>
    %dma_start3A_22 = arith.constant 0 : i32
    %dma_start3A_23 = tpu.memref_slice %arg3[%add3A_13, %dma_start3A_22] : memref<128x128xi32, #tpu.memory_space<hbm>> -> memref<2x128xi32, #tpu.memory_space<hbm>>
    tpu.enqueue_dma source(%dma_start3A_23 : memref<2x128xi32, #tpu.memory_space<hbm>>) target(%dma_start3A_21 : memref<2x128xi32, #tpu.memory_space<vmem>>) target_semaphore(%arg7 : memref<!tpu.dma_semaphore, #tpu.memory_space<semaphore_mem>>)
    %dma_wait3A = arith.constant 0 : i32
    %dma_wait3A_24 = arith.constant 0 : i32
    %dma_wait3A_25 = tpu.memref_slice %arg5[%dma_wait3A, %dma_wait3A_24] : memref<4x128xi32, #tpu.memory_space<vmem>> -> memref<2x128xi32, #tpu.memory_space<vmem>>
    %dma_wait3A_26 = arith.constant 0 : i32
    %dma_wait3A_27 = tpu.memref_slice %arg3[%mul3A_2, %dma_wait3A_26] : memref<128x128xi32, #tpu.memory_space<hbm>> -> memref<2x128xi32, #tpu.memory_space<hbm>>
    %dma_wait3A_28 = arith.constant 0 : i32
    %dma_wait3A_29 = arith.constant 0 : i32
    %dma_wait3A_30 = tpu.memref_slice %arg5[%dma_wait3A_28, %dma_wait3A_29] : memref<4x128xi32, #tpu.memory_space<vmem>> -> memref<2x128xi32, #tpu.memory_space<vmem>>
    %dma_wait3A_31 = arith.constant 0 : i32
    %dma_wait3A_32 = tpu.memref_slice %arg3[%mul3A_2, %dma_wait3A_31] : memref<128x128xi32, #tpu.memory_space<hbm>> -> memref<2x128xi32, #tpu.memory_space<hbm>>
    tpu.wait_dma2 semaphore(%arg7 : memref<!tpu.dma_semaphore, #tpu.memory_space<semaphore_mem>>) src(%dma_wait3A_32 : memref<2x128xi32, #tpu.memory_space<hbm>>) dst(%dma_wait3A_30 : memref<2x128xi32, #tpu.memory_space<vmem>>)
    %dma_start3A_33 = arith.constant 0 : i32
    %dma_start3A_34 = arith.constant 0 : i32
    %dma_start3A_35 = arith.constant 0 : i32
    %dma_start3A_36 = tpu.memref_slice %arg6[%dma_start3A_34, %dma_start3A_35] : memref<4x128xf32, #tpu.memory_space<vmem>> -> memref<1x128xf32, #tpu.memory_space<vmem>>
    %dma_start3A_37 = tpu.memref_squeeze %dma_start3A_36 : memref<1x128xf32, #tpu.memory_space<vmem>> -> memref<128xf32, #tpu.memory_space<vmem>>
    %dma_start3A_38 = arith.constant 0 : i32
    %dma_start3A_39 = tpu.memref_slice %arg5[%dma_start3A_33, %dma_start3A_38] : memref<4x128xi32, #tpu.memory_space<vmem>> -> memref<1x128xi32, #tpu.memory_space<vmem>>
    %dma_start3A_40 = tpu.memref_squeeze %dma_start3A_39 : memref<1x128xi32, #tpu.memory_space<vmem>> -> memref<128xi32, #tpu.memory_space<vmem>>
    %dma_start3A_41 = arith.constant 0 : i32
    %dma_start3A_42 = tpu.memref_slice %arg2[%dma_start3A_41] : memref<100000xf32, #tpu.memory_space<hbm>> -> memref<100000xf32, #tpu.memory_space<hbm>>
    tpu.enqueue_indirect_dma source(%dma_start3A_42 : memref<100000xf32, #tpu.memory_space<hbm>>) target(%dma_start3A_37 : memref<128xf32, #tpu.memory_space<vmem>>) offsets(%dma_start3A_40 : memref<128xi32, #tpu.memory_space<vmem>>) semaphore(%arg8 : memref<!tpu.dma_semaphore, #tpu.memory_space<semaphore_mem>>)
    %dma_start3A_43 = arith.constant 1 : i32
    %dma_start3A_44 = arith.constant 1 : i32
    %dma_start3A_45 = arith.constant 0 : i32
    %dma_start3A_46 = tpu.memref_slice %arg6[%dma_start3A_44, %dma_start3A_45] : memref<4x128xf32, #tpu.memory_space<vmem>> -> memref<1x128xf32, #tpu.memory_space<vmem>>
    %dma_start3A_47 = tpu.memref_squeeze %dma_start3A_46 : memref<1x128xf32, #tpu.memory_space<vmem>> -> memref<128xf32, #tpu.memory_space<vmem>>
    %dma_start3A_48 = arith.constant 0 : i32
    %dma_start3A_49 = tpu.memref_slice %arg5[%dma_start3A_43, %dma_start3A_48] : memref<4x128xi32, #tpu.memory_space<vmem>> -> memref<1x128xi32, #tpu.memory_space<vmem>>
    %dma_start3A_50 = tpu.memref_squeeze %dma_start3A_49 : memref<1x128xi32, #tpu.memory_space<vmem>> -> memref<128xi32, #tpu.memory_space<vmem>>
    %dma_start3A_51 = arith.constant 0 : i32
    %dma_start3A_52 = tpu.memref_slice %arg2[%dma_start3A_51] : memref<100000xf32, #tpu.memory_space<hbm>> -> memref<100000xf32, #tpu.memory_space<hbm>>
    tpu.enqueue_indirect_dma source(%dma_start3A_52 : memref<100000xf32, #tpu.memory_space<hbm>>) target(%dma_start3A_47 : memref<128xf32, #tpu.memory_space<vmem>>) offsets(%dma_start3A_50 : memref<128xi32, #tpu.memory_space<vmem>>) semaphore(%arg8 : memref<!tpu.dma_semaphore, #tpu.memory_space<semaphore_mem>>)
    %dma_wait3A_53 = arith.constant 2 : i32
    %dma_wait3A_54 = arith.constant 0 : i32
    %dma_wait3A_55 = tpu.memref_slice %arg5[%dma_wait3A_53, %dma_wait3A_54] : memref<4x128xi32, #tpu.memory_space<vmem>> -> memref<2x128xi32, #tpu.memory_space<vmem>>
    %dma_wait3A_56 = arith.constant 0 : i32
    %dma_wait3A_57 = tpu.memref_slice %arg3[%add3A_13, %dma_wait3A_56] : memref<128x128xi32, #tpu.memory_space<hbm>> -> memref<2x128xi32, #tpu.memory_space<hbm>>
    %dma_wait3A_58 = arith.constant 2 : i32
    %dma_wait3A_59 = arith.constant 0 : i32
    %dma_wait3A_60 = tpu.memref_slice %arg5[%dma_wait3A_58, %dma_wait3A_59] : memref<4x128xi32, #tpu.memory_space<vmem>> -> memref<2x128xi32, #tpu.memory_space<vmem>>
    %dma_wait3A_61 = arith.constant 0 : i32
    %dma_wait3A_62 = tpu.memref_slice %arg3[%add3A_13, %dma_wait3A_61] : memref<128x128xi32, #tpu.memory_space<hbm>> -> memref<2x128xi32, #tpu.memory_space<hbm>>
    tpu.wait_dma2 semaphore(%arg7 : memref<!tpu.dma_semaphore, #tpu.memory_space<semaphore_mem>>) src(%dma_wait3A_62 : memref<2x128xi32, #tpu.memory_space<hbm>>) dst(%dma_wait3A_60 : memref<2x128xi32, #tpu.memory_space<vmem>>)
    %dma_start3A_63 = arith.constant 2 : i32
    %dma_start3A_64 = arith.constant 2 : i32
    %dma_start3A_65 = arith.constant 0 : i32
    %dma_start3A_66 = tpu.memref_slice %arg6[%dma_start3A_64, %dma_start3A_65] : memref<4x128xf32, #tpu.memory_space<vmem>> -> memref<1x128xf32, #tpu.memory_space<vmem>>
    %dma_start3A_67 = tpu.memref_squeeze %dma_start3A_66 : memref<1x128xf32, #tpu.memory_space<vmem>> -> memref<128xf32, #tpu.memory_space<vmem>>
    %dma_start3A_68 = arith.constant 0 : i32
    %dma_start3A_69 = tpu.memref_slice %arg5[%dma_start3A_63, %dma_start3A_68] : memref<4x128xi32, #tpu.memory_space<vmem>> -> memref<1x128xi32, #tpu.memory_space<vmem>>
    %dma_start3A_70 = tpu.memref_squeeze %dma_start3A_69 : memref<1x128xi32, #tpu.memory_space<vmem>> -> memref<128xi32, #tpu.memory_space<vmem>>
    %dma_start3A_71 = arith.constant 0 : i32
    %dma_start3A_72 = tpu.memref_slice %arg2[%dma_start3A_71] : memref<100000xf32, #tpu.memory_space<hbm>> -> memref<100000xf32, #tpu.memory_space<hbm>>
    tpu.enqueue_indirect_dma source(%dma_start3A_72 : memref<100000xf32, #tpu.memory_space<hbm>>) target(%dma_start3A_67 : memref<128xf32, #tpu.memory_space<vmem>>) offsets(%dma_start3A_70 : memref<128xi32, #tpu.memory_space<vmem>>) semaphore(%arg8 : memref<!tpu.dma_semaphore, #tpu.memory_space<semaphore_mem>>)
    %dma_start3A_73 = arith.constant 3 : i32
    %dma_start3A_74 = arith.constant 3 : i32
    %dma_start3A_75 = arith.constant 0 : i32
    %dma_start3A_76 = tpu.memref_slice %arg6[%dma_start3A_74, %dma_start3A_75] : memref<4x128xf32, #tpu.memory_space<vmem>> -> memref<1x128xf32, #tpu.memory_space<vmem>>
    %dma_start3A_77 = tpu.memref_squeeze %dma_start3A_76 : memref<1x128xf32, #tpu.memory_space<vmem>> -> memref<128xf32, #tpu.memory_space<vmem>>
    %dma_start3A_78 = arith.constant 0 : i32
    %dma_start3A_79 = tpu.memref_slice %arg5[%dma_start3A_73, %dma_start3A_78] : memref<4x128xi32, #tpu.memory_space<vmem>> -> memref<1x128xi32, #tpu.memory_space<vmem>>
    %dma_start3A_80 = tpu.memref_squeeze %dma_start3A_79 : memref<1x128xi32, #tpu.memory_space<vmem>> -> memref<128xi32, #tpu.memory_space<vmem>>
    %dma_start3A_81 = arith.constant 0 : i32
    %dma_start3A_82 = tpu.memref_slice %arg2[%dma_start3A_81] : memref<100000xf32, #tpu.memory_space<hbm>> -> memref<100000xf32, #tpu.memory_space<hbm>>
    tpu.enqueue_indirect_dma source(%dma_start3A_82 : memref<100000xf32, #tpu.memory_space<hbm>>) target(%dma_start3A_77 : memref<128xf32, #tpu.memory_space<vmem>>) offsets(%dma_start3A_80 : memref<128xi32, #tpu.memory_space<vmem>>) semaphore(%arg8 : memref<!tpu.dma_semaphore, #tpu.memory_space<semaphore_mem>>)
    %dma_wait3A_83 = arith.constant 0 : i32
    %dma_wait3A_84 = arith.constant 0 : i32
    %dma_wait3A_85 = arith.constant 0 : i32
    %dma_wait3A_86 = tpu.memref_slice %arg6[%dma_wait3A_84, %dma_wait3A_85] : memref<4x128xf32, #tpu.memory_space<vmem>> -> memref<1x128xf32, #tpu.memory_space<vmem>>
    %dma_wait3A_87 = tpu.memref_squeeze %dma_wait3A_86 : memref<1x128xf32, #tpu.memory_space<vmem>> -> memref<128xf32, #tpu.memory_space<vmem>>
    %dma_wait3A_88 = arith.constant 0 : i32
    %dma_wait3A_89 = tpu.memref_slice %arg5[%dma_wait3A_83, %dma_wait3A_88] : memref<4x128xi32, #tpu.memory_space<vmem>> -> memref<1x128xi32, #tpu.memory_space<vmem>>
    %dma_wait3A_90 = tpu.memref_squeeze %dma_wait3A_89 : memref<1x128xi32, #tpu.memory_space<vmem>> -> memref<128xi32, #tpu.memory_space<vmem>>
    %dma_wait3A_91 = arith.constant 0 : i32
    %dma_wait3A_92 = tpu.memref_slice %arg2[%dma_wait3A_91] : memref<100000xf32, #tpu.memory_space<hbm>> -> memref<100000xf32, #tpu.memory_space<hbm>>
    tpu.wait_indirect_dma semaphore(%arg8 : memref<!tpu.dma_semaphore, #tpu.memory_space<semaphore_mem>>) src(%dma_wait3A_92 : memref<100000xf32, #tpu.memory_space<hbm>>) dst(%dma_wait3A_87 : memref<128xf32, #tpu.memory_space<vmem>>)
    %dma_wait3A_93 = arith.constant 1 : i32
    %dma_wait3A_94 = arith.constant 1 : i32
    %dma_wait3A_95 = arith.constant 0 : i32
    %dma_wait3A_96 = tpu.memref_slice %arg6[%dma_wait3A_94, %dma_wait3A_95] : memref<4x128xf32, #tpu.memory_space<vmem>> -> memref<1x128xf32, #tpu.memory_space<vmem>>
    %dma_wait3A_97 = tpu.memref_squeeze %dma_wait3A_96 : memref<1x128xf32, #tpu.memory_space<vmem>> -> memref<128xf32, #tpu.memory_space<vmem>>
    %dma_wait3A_98 = arith.constant 0 : i32
    %dma_wait3A_99 = tpu.memref_slice %arg5[%dma_wait3A_93, %dma_wait3A_98] : memref<4x128xi32, #tpu.memory_space<vmem>> -> memref<1x128xi32, #tpu.memory_space<vmem>>
    %dma_wait3A_100 = tpu.memref_squeeze %dma_wait3A_99 : memref<1x128xi32, #tpu.memory_space<vmem>> -> memref<128xi32, #tpu.memory_space<vmem>>
    %dma_wait3A_101 = arith.constant 0 : i32
    %dma_wait3A_102 = tpu.memref_slice %arg2[%dma_wait3A_101] : memref<100000xf32, #tpu.memory_space<hbm>> -> memref<100000xf32, #tpu.memory_space<hbm>>
    tpu.wait_indirect_dma semaphore(%arg8 : memref<!tpu.dma_semaphore, #tpu.memory_space<semaphore_mem>>) src(%dma_wait3A_102 : memref<100000xf32, #tpu.memory_space<hbm>>) dst(%dma_wait3A_97 : memref<128xf32, #tpu.memory_space<vmem>>)
    %dma_start3A_103 = arith.constant 0 : i32
    %dma_start3A_104 = arith.constant 0 : i32
    %dma_start3A_105 = tpu.memref_slice %arg6[%dma_start3A_103, %dma_start3A_104] : memref<4x128xf32, #tpu.memory_space<vmem>> -> memref<2x128xf32, #tpu.memory_space<vmem>>
    %dma_start3A_106 = arith.constant 0 : i32
    %dma_start3A_107 = tpu.memref_slice %arg4[%mul3A_2, %dma_start3A_106] : memref<128x128xf32, #tpu.memory_space<hbm>> -> memref<2x128xf32, #tpu.memory_space<hbm>>
    %dma_start3A_108 = arith.constant 0 : i32
    %dma_start3A_109 = tpu.memref_slice %arg4[%mul3A_2, %dma_start3A_108] : memref<128x128xf32, #tpu.memory_space<hbm>> -> memref<2x128xf32, #tpu.memory_space<hbm>>
    %dma_start3A_110 = arith.constant 0 : i32
    %dma_start3A_111 = arith.constant 0 : i32
    %dma_start3A_112 = tpu.memref_slice %arg6[%dma_start3A_110, %dma_start3A_111] : memref<4x128xf32, #tpu.memory_space<vmem>> -> memref<2x128xf32, #tpu.memory_space<vmem>>
    tpu.enqueue_dma source(%dma_start3A_112 : memref<2x128xf32, #tpu.memory_space<vmem>>) target(%dma_start3A_109 : memref<2x128xf32, #tpu.memory_space<hbm>>) target_semaphore(%arg9 : memref<!tpu.dma_semaphore, #tpu.memory_space<semaphore_mem>>)
    %dma_wait3A_113 = arith.constant 2 : i32
    %dma_wait3A_114 = arith.constant 2 : i32
    %dma_wait3A_115 = arith.constant 0 : i32
    %dma_wait3A_116 = tpu.memref_slice %arg6[%dma_wait3A_114, %dma_wait3A_115] : memref<4x128xf32, #tpu.memory_space<vmem>> -> memref<1x128xf32, #tpu.memory_space<vmem>>
    %dma_wait3A_117 = tpu.memref_squeeze %dma_wait3A_116 : memref<1x128xf32, #tpu.memory_space<vmem>> -> memref<128xf32, #tpu.memory_space<vmem>>
    %dma_wait3A_118 = arith.constant 0 : i32
    %dma_wait3A_119 = tpu.memref_slice %arg5[%dma_wait3A_113, %dma_wait3A_118] : memref<4x128xi32, #tpu.memory_space<vmem>> -> memref<1x128xi32, #tpu.memory_space<vmem>>
    %dma_wait3A_120 = tpu.memref_squeeze %dma_wait3A_119 : memref<1x128xi32, #tpu.memory_space<vmem>> -> memref<128xi32, #tpu.memory_space<vmem>>
    %dma_wait3A_121 = arith.constant 0 : i32
    %dma_wait3A_122 = tpu.memref_slice %arg2[%dma_wait3A_121] : memref<100000xf32, #tpu.memory_space<hbm>> -> memref<100000xf32, #tpu.memory_space<hbm>>
    tpu.wait_indirect_dma semaphore(%arg8 : memref<!tpu.dma_semaphore, #tpu.memory_space<semaphore_mem>>) src(%dma_wait3A_122 : memref<100000xf32, #tpu.memory_space<hbm>>) dst(%dma_wait3A_117 : memref<128xf32, #tpu.memory_space<vmem>>)
    %dma_wait3A_123 = arith.constant 3 : i32
    %dma_wait3A_124 = arith.constant 3 : i32
    %dma_wait3A_125 = arith.constant 0 : i32
    %dma_wait3A_126 = tpu.memref_slice %arg6[%dma_wait3A_124, %dma_wait3A_125] : memref<4x128xf32, #tpu.memory_space<vmem>> -> memref<1x128xf32, #tpu.memory_space<vmem>>
    %dma_wait3A_127 = tpu.memref_squeeze %dma_wait3A_126 : memref<1x128xf32, #tpu.memory_space<vmem>> -> memref<128xf32, #tpu.memory_space<vmem>>
    %dma_wait3A_128 = arith.constant 0 : i32
    %dma_wait3A_129 = tpu.memref_slice %arg5[%dma_wait3A_123, %dma_wait3A_128] : memref<4x128xi32, #tpu.memory_space<vmem>> -> memref<1x128xi32, #tpu.memory_space<vmem>>
    %dma_wait3A_130 = tpu.memref_squeeze %dma_wait3A_129 : memref<1x128xi32, #tpu.memory_space<vmem>> -> memref<128xi32, #tpu.memory_space<vmem>>
    %dma_wait3A_131 = arith.constant 0 : i32
    %dma_wait3A_132 = tpu.memref_slice %arg2[%dma_wait3A_131] : memref<100000xf32, #tpu.memory_space<hbm>> -> memref<100000xf32, #tpu.memory_space<hbm>>
    tpu.wait_indirect_dma semaphore(%arg8 : memref<!tpu.dma_semaphore, #tpu.memory_space<semaphore_mem>>) src(%dma_wait3A_132 : memref<100000xf32, #tpu.memory_space<hbm>>) dst(%dma_wait3A_127 : memref<128xf32, #tpu.memory_space<vmem>>)
    %add3A_133 = arith.constant 2 : i32
    %add3A_134 = arith.addi %mul3A_2, %add3A_133 : i32
    %dma_start3A_135 = arith.constant 2 : i32
    %dma_start3A_136 = arith.constant 0 : i32
    %dma_start3A_137 = tpu.memref_slice %arg6[%dma_start3A_135, %dma_start3A_136] : memref<4x128xf32, #tpu.memory_space<vmem>> -> memref<2x128xf32, #tpu.memory_space<vmem>>
    %dma_start3A_138 = arith.constant 0 : i32
    %dma_start3A_139 = tpu.memref_slice %arg4[%add3A_134, %dma_start3A_138] : memref<128x128xf32, #tpu.memory_space<hbm>> -> memref<2x128xf32, #tpu.memory_space<hbm>>
    %dma_start3A_140 = arith.constant 0 : i32
    %dma_start3A_141 = tpu.memref_slice %arg4[%add3A_134, %dma_start3A_140] : memref<128x128xf32, #tpu.memory_space<hbm>> -> memref<2x128xf32, #tpu.memory_space<hbm>>
    %dma_start3A_142 = arith.constant 2 : i32
    %dma_start3A_143 = arith.constant 0 : i32
    %dma_start3A_144 = tpu.memref_slice %arg6[%dma_start3A_142, %dma_start3A_143] : memref<4x128xf32, #tpu.memory_space<vmem>> -> memref<2x128xf32, #tpu.memory_space<vmem>>
    tpu.enqueue_dma source(%dma_start3A_144 : memref<2x128xf32, #tpu.memory_space<vmem>>) target(%dma_start3A_141 : memref<2x128xf32, #tpu.memory_space<hbm>>) target_semaphore(%arg9 : memref<!tpu.dma_semaphore, #tpu.memory_space<semaphore_mem>>)
    %dma_wait3A_145 = arith.constant 0 : i32
    %dma_wait3A_146 = arith.constant 0 : i32
    %dma_wait3A_147 = tpu.memref_slice %arg6[%dma_wait3A_145, %dma_wait3A_146] : memref<4x128xf32, #tpu.memory_space<vmem>> -> memref<2x128xf32, #tpu.memory_space<vmem>>
    %dma_wait3A_148 = arith.constant 0 : i32
    %dma_wait3A_149 = tpu.memref_slice %arg4[%mul3A_2, %dma_wait3A_148] : memref<128x128xf32, #tpu.memory_space<hbm>> -> memref<2x128xf32, #tpu.memory_space<hbm>>
    %dma_wait3A_150 = arith.constant 0 : i32
    %dma_wait3A_151 = tpu.memref_slice %arg4[%mul3A_2, %dma_wait3A_150] : memref<128x128xf32, #tpu.memory_space<hbm>> -> memref<2x128xf32, #tpu.memory_space<hbm>>
    %dma_wait3A_152 = arith.constant 0 : i32
    %dma_wait3A_153 = arith.constant 0 : i32
    %dma_wait3A_154 = tpu.memref_slice %arg6[%dma_wait3A_152, %dma_wait3A_153] : memref<4x128xf32, #tpu.memory_space<vmem>> -> memref<2x128xf32, #tpu.memory_space<vmem>>
    tpu.wait_dma2 semaphore(%arg9 : memref<!tpu.dma_semaphore, #tpu.memory_space<semaphore_mem>>) src(%dma_wait3A_154 : memref<2x128xf32, #tpu.memory_space<vmem>>) dst(%dma_wait3A_151 : memref<2x128xf32, #tpu.memory_space<hbm>>)
    %dma_wait3A_155 = arith.constant 2 : i32
    %dma_wait3A_156 = arith.constant 0 : i32
    %dma_wait3A_157 = tpu.memref_slice %arg6[%dma_wait3A_155, %dma_wait3A_156] : memref<4x128xf32, #tpu.memory_space<vmem>> -> memref<2x128xf32, #tpu.memory_space<vmem>>
    %dma_wait3A_158 = arith.constant 0 : i32
    %dma_wait3A_159 = tpu.memref_slice %arg4[%add3A_134, %dma_wait3A_158] : memref<128x128xf32, #tpu.memory_space<hbm>> -> memref<2x128xf32, #tpu.memory_space<hbm>>
    %dma_wait3A_160 = arith.constant 0 : i32
    %dma_wait3A_161 = tpu.memref_slice %arg4[%add3A_134, %dma_wait3A_160] : memref<128x128xf32, #tpu.memory_space<hbm>> -> memref<2x128xf32, #tpu.memory_space<hbm>>
    %dma_wait3A_162 = arith.constant 2 : i32
    %dma_wait3A_163 = arith.constant 0 : i32
    %dma_wait3A_164 = tpu.memref_slice %arg6[%dma_wait3A_162, %dma_wait3A_163] : memref<4x128xf32, #tpu.memory_space<vmem>> -> memref<2x128xf32, #tpu.memory_space<vmem>>
    tpu.wait_dma2 semaphore(%arg9 : memref<!tpu.dma_semaphore, #tpu.memory_space<semaphore_mem>>) src(%dma_wait3A_164 : memref<2x128xf32, #tpu.memory_space<vmem>>) dst(%dma_wait3A_161 : memref<2x128xf32, #tpu.memory_space<hbm>>)
    return
  }
}

module attributes {stable_mosaic.version = 14 : i64} {
  func.func @_dense_body(%arg0: i32, %arg1: memref<64x128xf32, #tpu.memory_space<vmem>>, %arg2: memref<64x128xf32, #tpu.memory_space<vmem>>, %arg3: memref<1x128xf32, #tpu.memory_space<vmem>>, %arg4: memref<1x128xf32, #tpu.memory_space<vmem>>, %arg5: memref<8192x128xf32, #tpu.memory_space<vmem>>) attributes {dimension_semantics = [#tpu.dimension_semantics<arbitrary>], iteration_bounds = array<i64: 2>, scalar_prefetch = 0 : i64, scratch_operands = 0 : i64, tpu.core_type = #tpu.core_type<tc>, window_params = [{transform_indices = @transform_0, window_bounds = array<i64: 64, 128>}, {transform_indices = @transform_1, window_bounds = array<i64: 64, 128>}, {pipeline_mode = #tpu.pipeline_mode<synchronous>, transform_indices = @transform_2, window_bounds = array<i64: 1, 128>}, {pipeline_mode = #tpu.pipeline_mode<synchronous>, transform_indices = @transform_3, window_bounds = array<i64: 1, 128>}, {transform_indices = @transform_4, window_bounds = array<i64: 8192, 128>}]} {
    %get3A = arith.constant 0 : index
    %get3A_0 = arith.constant 0 : index
    %get3A_1 = vector.load %arg1[%get3A, %get3A_0] : memref<64x128xf32, #tpu.memory_space<vmem>>, vector<64x128xf32>
    %get3A_2 = arith.constant 0 : index
    %get3A_3 = arith.constant 0 : index
    %get3A_4 = vector.load %arg2[%get3A_2, %get3A_3] : memref<64x128xf32, #tpu.memory_space<vmem>>, vector<64x128xf32>
    %add3A = arith.addf %get3A_1, %get3A_4 : vector<64x128xf32>
    %transpose3A = tpu.transpose %add3A, [1, 0] : vector<64x128xf32> -> vector<128x64xf32>
    %get3A_5 = arith.constant 0 : index
    %get3A_6 = arith.constant 0 : index
    %get3A_7 = vector.load %arg3[%get3A_5, %get3A_6] : memref<1x128xf32, #tpu.memory_space<vmem>>, vector<1x128xf32>
    %exp3A = math.exp %get3A_7 : vector<1x128xf32>
    %mul3A = arith.constant 5.000000e-01 : f32
    %mul3A_8 = vector.broadcast %mul3A : f32 to vector<1x128xf32>
    %mul3A_9 = arith.mulf %mul3A_8, %exp3A : vector<1x128xf32>
    %get3A_10 = arith.constant 0 : index
    %get3A_11 = arith.constant 0 : index
    %get3A_12 = vector.load %arg4[%get3A_10, %get3A_11] : memref<1x128xf32, #tpu.memory_space<vmem>>, vector<1x128xf32>
    %mul3A_13 = arith.mulf %mul3A_9, %get3A_12 : vector<1x128xf32>
    %slice3A = vector.extract_strided_slice %transpose3A {offsets = [0, 0], sizes = [128, 1], strides = [1, 1]} : vector<128x64xf32> to vector<128x1xf32>
    %mul3A_14 = vector.broadcast %mul3A_9 : vector<1x128xf32> to vector<128x128xf32>
    %mul3A_15 = vector.broadcast %slice3A : vector<128x1xf32> to vector<128x128xf32>
    %mul3A_16 = arith.mulf %mul3A_14, %mul3A_15 : vector<128x128xf32>
    %sub3A = vector.broadcast %mul3A_13 : vector<1x128xf32> to vector<128x128xf32>
    %sub3A_17 = arith.subf %mul3A_16, %sub3A : vector<128x128xf32>
    %tanh3A = math.tanh %sub3A_17 : vector<128x128xf32>
    %mul3A_18 = arith.constant 5.000000e-01 : f32
    %mul3A_19 = vector.broadcast %mul3A_18 : f32 to vector<128x128xf32>
    %mul3A_20 = arith.mulf %mul3A_19, %tanh3A : vector<128x128xf32>
    %add3A_21 = arith.constant 5.000000e-01 : f32
    %add3A_22 = vector.broadcast %add3A_21 : f32 to vector<128x128xf32>
    %add3A_23 = arith.addf %mul3A_20, %add3A_22 : vector<128x128xf32>
    %swap3A = arith.constant 0 : index
    %swap3A_24 = arith.constant 0 : index
    %swap3A_25 = vector.load %arg5[%swap3A, %swap3A_24] : memref<8192x128xf32, #tpu.memory_space<vmem>>, vector<128x128xf32>
    tpu.vector_store %arg5[%swap3A, %swap3A_24], %add3A_23 {strides = array<i32>} : memref<8192x128xf32, #tpu.memory_space<vmem>>, vector<128x128xf32>,
    %slice3A_26 = vector.extract_strided_slice %transpose3A {offsets = [0, 1], sizes = [128, 1], strides = [1, 1]} : vector<128x64xf32> to vector<128x1xf32>
    %mul3A_27 = vector.broadcast %mul3A_9 : vector<1x128xf32> to vector<128x128xf32>
    %mul3A_28 = vector.broadcast %slice3A_26 : vector<128x1xf32> to vector<128x128xf32>
    %mul3A_29 = arith.mulf %mul3A_27, %mul3A_28 : vector<128x128xf32>
    %sub3A_30 = vector.broadcast %mul3A_13 : vector<1x128xf32> to vector<128x128xf32>
    %sub3A_31 = arith.subf %mul3A_29, %sub3A_30 : vector<128x128xf32>
    %tanh3A_32 = math.tanh %sub3A_31 : vector<128x128xf32>
    %mul3A_33 = arith.constant 5.000000e-01 : f32
    %mul3A_34 = vector.broadcast %mul3A_33 : f32 to vector<128x128xf32>
    %mul3A_35 = arith.mulf %mul3A_34, %tanh3A_32 : vector<128x128xf32>
    %add3A_36 = arith.constant 5.000000e-01 : f32
    %add3A_37 = vector.broadcast %add3A_36 : f32 to vector<128x128xf32>
    %add3A_38 = arith.addf %mul3A_35, %add3A_37 : vector<128x128xf32>
    %swap3A_39 = arith.constant 128 : index
    %swap3A_40 = arith.constant 0 : index
    %swap3A_41 = vector.load %arg5[%swap3A_39, %swap3A_40] : memref<8192x128xf32, #tpu.memory_space<vmem>>, vector<128x128xf32>
    tpu.vector_store %arg5[%swap3A_39, %swap3A_40], %add3A_38 {strides = array<i32>} : memref<8192x128xf32, #tpu.memory_space<vmem>>, vector<128x128xf32>,
    %slice3A_42 = vector.extract_strided_slice %transpose3A {offsets = [0, 2], sizes = [128, 1], strides = [1, 1]} : vector<128x64xf32> to vector<128x1xf32>
    %mul3A_43 = vector.broadcast %mul3A_9 : vector<1x128xf32> to vector<128x128xf32>
    %mul3A_44 = vector.broadcast %slice3A_42 : vector<128x1xf32> to vector<128x128xf32>
    %mul3A_45 = arith.mulf %mul3A_43, %mul3A_44 : vector<128x128xf32>
    %sub3A_46 = vector.broadcast %mul3A_13 : vector<1x128xf32> to vector<128x128xf32>
    %sub3A_47 = arith.subf %mul3A_45, %sub3A_46 : vector<128x128xf32>
    %tanh3A_48 = math.tanh %sub3A_47 : vector<128x128xf32>
    %mul3A_49 = arith.constant 5.000000e-01 : f32
    %mul3A_50 = vector.broadcast %mul3A_49 : f32 to vector<128x128xf32>
    %mul3A_51 = arith.mulf %mul3A_50, %tanh3A_48 : vector<128x128xf32>
    %add3A_52 = arith.constant 5.000000e-01 : f32
    %add3A_53 = vector.broadcast %add3A_52 : f32 to vector<128x128xf32>
    %add3A_54 = arith.addf %mul3A_51, %add3A_53 : vector<128x128xf32>
    %swap3A_55 = arith.constant 256 : index
    %swap3A_56 = arith.constant 0 : index
    %swap3A_57 = vector.load %arg5[%swap3A_55, %swap3A_56] : memref<8192x128xf32, #tpu.memory_space<vmem>>, vector<128x128xf32>
    tpu.vector_store %arg5[%swap3A_55, %swap3A_56], %add3A_54 {strides = array<i32>} : memref<8192x128xf32, #tpu.memory_space<vmem>>, vector<128x128xf32>,
    %slice3A_58 = vector.extract_strided_slice %transpose3A {offsets = [0, 3], sizes = [128, 1], strides = [1, 1]} : vector<128x64xf32> to vector<128x1xf32>
    %mul3A_59 = vector.broadcast %mul3A_9 : vector<1x128xf32> to vector<128x128xf32>
    %mul3A_60 = vector.broadcast %slice3A_58 : vector<128x1xf32> to vector<128x128xf32>
    %mul3A_61 = arith.mulf %mul3A_59, %mul3A_60 : vector<128x128xf32>
    %sub3A_62 = vector.broadcast %mul3A_13 : vector<1x128xf32> to vector<128x128xf32>
    %sub3A_63 = arith.subf %mul3A_61, %sub3A_62 : vector<128x128xf32>
    %tanh3A_64 = math.tanh %sub3A_63 : vector<128x128xf32>
    %mul3A_65 = arith.constant 5.000000e-01 : f32
    %mul3A_66 = vector.broadcast %mul3A_65 : f32 to vector<128x128xf32>
    %mul3A_67 = arith.mulf %mul3A_66, %tanh3A_64 : vector<128x128xf32>
    %add3A_68 = arith.constant 5.000000e-01 : f32
    %add3A_69 = vector.broadcast %add3A_68 : f32 to vector<128x128xf32>
    %add3A_70 = arith.addf %mul3A_67, %add3A_69 : vector<128x128xf32>
    %swap3A_71 = arith.constant 384 : index
    %swap3A_72 = arith.constant 0 : index
    %swap3A_73 = vector.load %arg5[%swap3A_71, %swap3A_72] : memref<8192x128xf32, #tpu.memory_space<vmem>>, vector<128x128xf32>
    tpu.vector_store %arg5[%swap3A_71, %swap3A_72], %add3A_70 {strides = array<i32>} : memref<8192x128xf32, #tpu.memory_space<vmem>>, vector<128x128xf32>,
    %slice3A_74 = vector.extract_strided_slice %transpose3A {offsets = [0, 4], sizes = [128, 1], strides = [1, 1]} : vector<128x64xf32> to vector<128x1xf32>
    %mul3A_75 = vector.broadcast %mul3A_9 : vector<1x128xf32> to vector<128x128xf32>
    %mul3A_76 = vector.broadcast %slice3A_74 : vector<128x1xf32> to vector<128x128xf32>
    %mul3A_77 = arith.mulf %mul3A_75, %mul3A_76 : vector<128x128xf32>
    %sub3A_78 = vector.broadcast %mul3A_13 : vector<1x128xf32> to vector<128x128xf32>
    %sub3A_79 = arith.subf %mul3A_77, %sub3A_78 : vector<128x128xf32>
    %tanh3A_80 = math.tanh %sub3A_79 : vector<128x128xf32>
    %mul3A_81 = arith.constant 5.000000e-01 : f32
    %mul3A_82 = vector.broadcast %mul3A_81 : f32 to vector<128x128xf32>
    %mul3A_83 = arith.mulf %mul3A_82, %tanh3A_80 : vector<128x128xf32>
    %add3A_84 = arith.constant 5.000000e-01 : f32
    %add3A_85 = vector.broadcast %add3A_84 : f32 to vector<128x128xf32>
    %add3A_86 = arith.addf %mul3A_83, %add3A_85 : vector<128x128xf32>
    %swap3A_87 = arith.constant 512 : index
    %swap3A_88 = arith.constant 0 : index
    %swap3A_89 = vector.load %arg5[%swap3A_87, %swap3A_88] : memref<8192x128xf32, #tpu.memory_space<vmem>>, vector<128x128xf32>
    tpu.vector_store %arg5[%swap3A_87, %swap3A_88], %add3A_86 {strides = array<i32>} : memref<8192x128xf32, #tpu.memory_space<vmem>>, vector<128x128xf32>,
    %slice3A_90 = vector.extract_strided_slice %transpose3A {offsets = [0, 5], sizes = [128, 1], strides = [1, 1]} : vector<128x64xf32> to vector<128x1xf32>
    %mul3A_91 = vector.broadcast %mul3A_9 : vector<1x128xf32> to vector<128x128xf32>
    %mul3A_92 = vector.broadcast %slice3A_90 : vector<128x1xf32> to vector<128x128xf32>
    %mul3A_93 = arith.mulf %mul3A_91, %mul3A_92 : vector<128x128xf32>
    %sub3A_94 = vector.broadcast %mul3A_13 : vector<1x128xf32> to vector<128x128xf32>
    %sub3A_95 = arith.subf %mul3A_93, %sub3A_94 : vector<128x128xf32>
    %tanh3A_96 = math.tanh %sub3A_95 : vector<128x128xf32>
    %mul3A_97 = arith.constant 5.000000e-01 : f32
    %mul3A_98 = vector.broadcast %mul3A_97 : f32 to vector<128x128xf32>
    %mul3A_99 = arith.mulf %mul3A_98, %tanh3A_96 : vector<128x128xf32>
    %add3A_100 = arith.constant 5.000000e-01 : f32
    %add3A_101 = vector.broadcast %add3A_100 : f32 to vector<128x128xf32>
    %add3A_102 = arith.addf %mul3A_99, %add3A_101 : vector<128x128xf32>
    %swap3A_103 = arith.constant 640 : index
    %swap3A_104 = arith.constant 0 : index
    %swap3A_105 = vector.load %arg5[%swap3A_103, %swap3A_104] : memref<8192x128xf32, #tpu.memory_space<vmem>>, vector<128x128xf32>
    tpu.vector_store %arg5[%swap3A_103, %swap3A_104], %add3A_102 {strides = array<i32>} : memref<8192x128xf32, #tpu.memory_space<vmem>>, vector<128x128xf32>,
    %slice3A_106 = vector.extract_strided_slice %transpose3A {offsets = [0, 6], sizes = [128, 1], strides = [1, 1]} : vector<128x64xf32> to vector<128x1xf32>
    %mul3A_107 = vector.broadcast %mul3A_9 : vector<1x128xf32> to vector<128x128xf32>
    %mul3A_108 = vector.broadcast %slice3A_106 : vector<128x1xf32> to vector<128x128xf32>
    %mul3A_109 = arith.mulf %mul3A_107, %mul3A_108 : vector<128x128xf32>
    %sub3A_110 = vector.broadcast %mul3A_13 : vector<1x128xf32> to vector<128x128xf32>
    %sub3A_111 = arith.subf %mul3A_109, %sub3A_110 : vector<128x128xf32>
    %tanh3A_112 = math.tanh %sub3A_111 : vector<128x128xf32>
    %mul3A_113 = arith.constant 5.000000e-01 : f32
    %mul3A_114 = vector.broadcast %mul3A_113 : f32 to vector<128x128xf32>
    %mul3A_115 = arith.mulf %mul3A_114, %tanh3A_112 : vector<128x128xf32>
    %add3A_116 = arith.constant 5.000000e-01 : f32
    %add3A_117 = vector.broadcast %add3A_116 : f32 to vector<128x128xf32>
    %add3A_118 = arith.addf %mul3A_115, %add3A_117 : vector<128x128xf32>
    %swap3A_119 = arith.constant 768 : index
    %swap3A_120 = arith.constant 0 : index
    %swap3A_121 = vector.load %arg5[%swap3A_119, %swap3A_120] : memref<8192x128xf32, #tpu.memory_space<vmem>>, vector<128x128xf32>
    tpu.vector_store %arg5[%swap3A_119, %swap3A_120], %add3A_118 {strides = array<i32>} : memref<8192x128xf32, #tpu.memory_space<vmem>>, vector<128x128xf32>,
    %slice3A_122 = vector.extract_strided_slice %transpose3A {offsets = [0, 7], sizes = [128, 1], strides = [1, 1]} : vector<128x64xf32> to vector<128x1xf32>
    %mul3A_123 = vector.broadcast %mul3A_9 : vector<1x128xf32> to vector<128x128xf32>
    %mul3A_124 = vector.broadcast %slice3A_122 : vector<128x1xf32> to vector<128x128xf32>
    %mul3A_125 = arith.mulf %mul3A_123, %mul3A_124 : vector<128x128xf32>
    %sub3A_126 = vector.broadcast %mul3A_13 : vector<1x128xf32> to vector<128x128xf32>
    %sub3A_127 = arith.subf %mul3A_125, %sub3A_126 : vector<128x128xf32>
    %tanh3A_128 = math.tanh %sub3A_127 : vector<128x128xf32>
    %mul3A_129 = arith.constant 5.000000e-01 : f32
    %mul3A_130 = vector.broadcast %mul3A_129 : f32 to vector<128x128xf32>
    %mul3A_131 = arith.mulf %mul3A_130, %tanh3A_128 : vector<128x128xf32>
    %add3A_132 = arith.constant 5.000000e-01 : f32
    %add3A_133 = vector.broadcast %add3A_132 : f32 to vector<128x128xf32>
    %add3A_134 = arith.addf %mul3A_131, %add3A_133 : vector<128x128xf32>
    %swap3A_135 = arith.constant 896 : index
    %swap3A_136 = arith.constant 0 : index
    %swap3A_137 = vector.load %arg5[%swap3A_135, %swap3A_136] : memref<8192x128xf32, #tpu.memory_space<vmem>>, vector<128x128xf32>
    tpu.vector_store %arg5[%swap3A_135, %swap3A_136], %add3A_134 {strides = array<i32>} : memref<8192x128xf32, #tpu.memory_space<vmem>>, vector<128x128xf32>,
    %slice3A_138 = vector.extract_strided_slice %transpose3A {offsets = [0, 8], sizes = [128, 1], strides = [1, 1]} : vector<128x64xf32> to vector<128x1xf32>
    %mul3A_139 = vector.broadcast %mul3A_9 : vector<1x128xf32> to vector<128x128xf32>
    %mul3A_140 = vector.broadcast %slice3A_138 : vector<128x1xf32> to vector<128x128xf32>
    %mul3A_141 = arith.mulf %mul3A_139, %mul3A_140 : vector<128x128xf32>
    %sub3A_142 = vector.broadcast %mul3A_13 : vector<1x128xf32> to vector<128x128xf32>
    %sub3A_143 = arith.subf %mul3A_141, %sub3A_142 : vector<128x128xf32>
    %tanh3A_144 = math.tanh %sub3A_143 : vector<128x128xf32>
    %mul3A_145 = arith.constant 5.000000e-01 : f32
    %mul3A_146 = vector.broadcast %mul3A_145 : f32 to vector<128x128xf32>
    %mul3A_147 = arith.mulf %mul3A_146, %tanh3A_144 : vector<128x128xf32>
    %add3A_148 = arith.constant 5.000000e-01 : f32
    %add3A_149 = vector.broadcast %add3A_148 : f32 to vector<128x128xf32>
    %add3A_150 = arith.addf %mul3A_147, %add3A_149 : vector<128x128xf32>
    %swap3A_151 = arith.constant 1024 : index
    %swap3A_152 = arith.constant 0 : index
    %swap3A_153 = vector.load %arg5[%swap3A_151, %swap3A_152] : memref<8192x128xf32, #tpu.memory_space<vmem>>, vector<128x128xf32>
    tpu.vector_store %arg5[%swap3A_151, %swap3A_152], %add3A_150 {strides = array<i32>} : memref<8192x128xf32, #tpu.memory_space<vmem>>, vector<128x128xf32>,
    %slice3A_154 = vector.extract_strided_slice %transpose3A {offsets = [0, 9], sizes = [128, 1], strides = [1, 1]} : vector<128x64xf32> to vector<128x1xf32>
    %mul3A_155 = vector.broadcast %mul3A_9 : vector<1x128xf32> to vector<128x128xf32>
    %mul3A_156 = vector.broadcast %slice3A_154 : vector<128x1xf32> to vector<128x128xf32>
    %mul3A_157 = arith.mulf %mul3A_155, %mul3A_156 : vector<128x128xf32>
    %sub3A_158 = vector.broadcast %mul3A_13 : vector<1x128xf32> to vector<128x128xf32>
    %sub3A_159 = arith.subf %mul3A_157, %sub3A_158 : vector<128x128xf32>
    %tanh3A_160 = math.tanh %sub3A_159 : vector<128x128xf32>
    %mul3A_161 = arith.constant 5.000000e-01 : f32
    %mul3A_162 = vector.broadcast %mul3A_161 : f32 to vector<128x128xf32>
    %mul3A_163 = arith.mulf %mul3A_162, %tanh3A_160 : vector<128x128xf32>
    %add3A_164 = arith.constant 5.000000e-01 : f32
    %add3A_165 = vector.broadcast %add3A_164 : f32 to vector<128x128xf32>
    %add3A_166 = arith.addf %mul3A_163, %add3A_165 : vector<128x128xf32>
    %swap3A_167 = arith.constant 1152 : index
    %swap3A_168 = arith.constant 0 : index
    %swap3A_169 = vector.load %arg5[%swap3A_167, %swap3A_168] : memref<8192x128xf32, #tpu.memory_space<vmem>>, vector<128x128xf32>
    tpu.vector_store %arg5[%swap3A_167, %swap3A_168], %add3A_166 {strides = array<i32>} : memref<8192x128xf32, #tpu.memory_space<vmem>>, vector<128x128xf32>,
    %slice3A_170 = vector.extract_strided_slice %transpose3A {offsets = [0, 10], sizes = [128, 1], strides = [1, 1]} : vector<128x64xf32> to vector<128x1xf32>
    %mul3A_171 = vector.broadcast %mul3A_9 : vector<1x128xf32> to vector<128x128xf32>
    %mul3A_172 = vector.broadcast %slice3A_170 : vector<128x1xf32> to vector<128x128xf32>
    %mul3A_173 = arith.mulf %mul3A_171, %mul3A_172 : vector<128x128xf32>
    %sub3A_174 = vector.broadcast %mul3A_13 : vector<1x128xf32> to vector<128x128xf32>
    %sub3A_175 = arith.subf %mul3A_173, %sub3A_174 : vector<128x128xf32>
    %tanh3A_176 = math.tanh %sub3A_175 : vector<128x128xf32>
    %mul3A_177 = arith.constant 5.000000e-01 : f32
    %mul3A_178 = vector.broadcast %mul3A_177 : f32 to vector<128x128xf32>
    %mul3A_179 = arith.mulf %mul3A_178, %tanh3A_176 : vector<128x128xf32>
    %add3A_180 = arith.constant 5.000000e-01 : f32
    %add3A_181 = vector.broadcast %add3A_180 : f32 to vector<128x128xf32>
    %add3A_182 = arith.addf %mul3A_179, %add3A_181 : vector<128x128xf32>
    %swap3A_183 = arith.constant 1280 : index
    %swap3A_184 = arith.constant 0 : index
    %swap3A_185 = vector.load %arg5[%swap3A_183, %swap3A_184] : memref<8192x128xf32, #tpu.memory_space<vmem>>, vector<128x128xf32>
    tpu.vector_store %arg5[%swap3A_183, %swap3A_184], %add3A_182 {strides = array<i32>} : memref<8192x128xf32, #tpu.memory_space<vmem>>, vector<128x128xf32>,
    %slice3A_186 = vector.extract_strided_slice %transpose3A {offsets = [0, 11], sizes = [128, 1], strides = [1, 1]} : vector<128x64xf32> to vector<128x1xf32>
    %mul3A_187 = vector.broadcast %mul3A_9 : vector<1x128xf32> to vector<128x128xf32>
    %mul3A_188 = vector.broadcast %slice3A_186 : vector<128x1xf32> to vector<128x128xf32>
    %mul3A_189 = arith.mulf %mul3A_187, %mul3A_188 : vector<128x128xf32>
    %sub3A_190 = vector.broadcast %mul3A_13 : vector<1x128xf32> to vector<128x128xf32>
    %sub3A_191 = arith.subf %mul3A_189, %sub3A_190 : vector<128x128xf32>
    %tanh3A_192 = math.tanh %sub3A_191 : vector<128x128xf32>
    %mul3A_193 = arith.constant 5.000000e-01 : f32
    %mul3A_194 = vector.broadcast %mul3A_193 : f32 to vector<128x128xf32>
    %mul3A_195 = arith.mulf %mul3A_194, %tanh3A_192 : vector<128x128xf32>
    %add3A_196 = arith.constant 5.000000e-01 : f32
    %add3A_197 = vector.broadcast %add3A_196 : f32 to vector<128x128xf32>
    %add3A_198 = arith.addf %mul3A_195, %add3A_197 : vector<128x128xf32>
    %swap3A_199 = arith.constant 1408 : index
    %swap3A_200 = arith.constant 0 : index
    %swap3A_201 = vector.load %arg5[%swap3A_199, %swap3A_200] : memref<8192x128xf32, #tpu.memory_space<vmem>>, vector<128x128xf32>
    tpu.vector_store %arg5[%swap3A_199, %swap3A_200], %add3A_198 {strides = array<i32>} : memref<8192x128xf32, #tpu.memory_space<vmem>>, vector<128x128xf32>,
    %slice3A_202 = vector.extract_strided_slice %transpose3A {offsets = [0, 12], sizes = [128, 1], strides = [1, 1]} : vector<128x64xf32> to vector<128x1xf32>
    %mul3A_203 = vector.broadcast %mul3A_9 : vector<1x128xf32> to vector<128x128xf32>
    %mul3A_204 = vector.broadcast %slice3A_202 : vector<128x1xf32> to vector<128x128xf32>
    %mul3A_205 = arith.mulf %mul3A_203, %mul3A_204 : vector<128x128xf32>
    %sub3A_206 = vector.broadcast %mul3A_13 : vector<1x128xf32> to vector<128x128xf32>
    %sub3A_207 = arith.subf %mul3A_205, %sub3A_206 : vector<128x128xf32>
    %tanh3A_208 = math.tanh %sub3A_207 : vector<128x128xf32>
    %mul3A_209 = arith.constant 5.000000e-01 : f32
    %mul3A_210 = vector.broadcast %mul3A_209 : f32 to vector<128x128xf32>
    %mul3A_211 = arith.mulf %mul3A_210, %tanh3A_208 : vector<128x128xf32>
    %add3A_212 = arith.constant 5.000000e-01 : f32
    %add3A_213 = vector.broadcast %add3A_212 : f32 to vector<128x128xf32>
    %add3A_214 = arith.addf %mul3A_211, %add3A_213 : vector<128x128xf32>
    %swap3A_215 = arith.constant 1536 : index
    %swap3A_216 = arith.constant 0 : index
    %swap3A_217 = vector.load %arg5[%swap3A_215, %swap3A_216] : memref<8192x128xf32, #tpu.memory_space<vmem>>, vector<128x128xf32>
    tpu.vector_store %arg5[%swap3A_215, %swap3A_216], %add3A_214 {strides = array<i32>} : memref<8192x128xf32, #tpu.memory_space<vmem>>, vector<128x128xf32>,
    %slice3A_218 = vector.extract_strided_slice %transpose3A {offsets = [0, 13], sizes = [128, 1], strides = [1, 1]} : vector<128x64xf32> to vector<128x1xf32>
    %mul3A_219 = vector.broadcast %mul3A_9 : vector<1x128xf32> to vector<128x128xf32>
    %mul3A_220 = vector.broadcast %slice3A_218 : vector<128x1xf32> to vector<128x128xf32>
    %mul3A_221 = arith.mulf %mul3A_219, %mul3A_220 : vector<128x128xf32>
    %sub3A_222 = vector.broadcast %mul3A_13 : vector<1x128xf32> to vector<128x128xf32>
    %sub3A_223 = arith.subf %mul3A_221, %sub3A_222 : vector<128x128xf32>
    %tanh3A_224 = math.tanh %sub3A_223 : vector<128x128xf32>
    %mul3A_225 = arith.constant 5.000000e-01 : f32
    %mul3A_226 = vector.broadcast %mul3A_225 : f32 to vector<128x128xf32>
    %mul3A_227 = arith.mulf %mul3A_226, %tanh3A_224 : vector<128x128xf32>
    %add3A_228 = arith.constant 5.000000e-01 : f32
    %add3A_229 = vector.broadcast %add3A_228 : f32 to vector<128x128xf32>
    %add3A_230 = arith.addf %mul3A_227, %add3A_229 : vector<128x128xf32>
    %swap3A_231 = arith.constant 1664 : index
    %swap3A_232 = arith.constant 0 : index
    %swap3A_233 = vector.load %arg5[%swap3A_231, %swap3A_232] : memref<8192x128xf32, #tpu.memory_space<vmem>>, vector<128x128xf32>
    tpu.vector_store %arg5[%swap3A_231, %swap3A_232], %add3A_230 {strides = array<i32>} : memref<8192x128xf32, #tpu.memory_space<vmem>>, vector<128x128xf32>,
    %slice3A_234 = vector.extract_strided_slice %transpose3A {offsets = [0, 14], sizes = [128, 1], strides = [1, 1]} : vector<128x64xf32> to vector<128x1xf32>
    %mul3A_235 = vector.broadcast %mul3A_9 : vector<1x128xf32> to vector<128x128xf32>
    %mul3A_236 = vector.broadcast %slice3A_234 : vector<128x1xf32> to vector<128x128xf32>
    %mul3A_237 = arith.mulf %mul3A_235, %mul3A_236 : vector<128x128xf32>
    %sub3A_238 = vector.broadcast %mul3A_13 : vector<1x128xf32> to vector<128x128xf32>
    %sub3A_239 = arith.subf %mul3A_237, %sub3A_238 : vector<128x128xf32>
    %tanh3A_240 = math.tanh %sub3A_239 : vector<128x128xf32>
    %mul3A_241 = arith.constant 5.000000e-01 : f32
    %mul3A_242 = vector.broadcast %mul3A_241 : f32 to vector<128x128xf32>
    %mul3A_243 = arith.mulf %mul3A_242, %tanh3A_240 : vector<128x128xf32>
    %add3A_244 = arith.constant 5.000000e-01 : f32
    %add3A_245 = vector.broadcast %add3A_244 : f32 to vector<128x128xf32>
    %add3A_246 = arith.addf %mul3A_243, %add3A_245 : vector<128x128xf32>
    %swap3A_247 = arith.constant 1792 : index
    %swap3A_248 = arith.constant 0 : index
    %swap3A_249 = vector.load %arg5[%swap3A_247, %swap3A_248] : memref<8192x128xf32, #tpu.memory_space<vmem>>, vector<128x128xf32>
    tpu.vector_store %arg5[%swap3A_247, %swap3A_248], %add3A_246 {strides = array<i32>} : memref<8192x128xf32, #tpu.memory_space<vmem>>, vector<128x128xf32>,
    %slice3A_250 = vector.extract_strided_slice %transpose3A {offsets = [0, 15], sizes = [128, 1], strides = [1, 1]} : vector<128x64xf32> to vector<128x1xf32>
    %mul3A_251 = vector.broadcast %mul3A_9 : vector<1x128xf32> to vector<128x128xf32>
    %mul3A_252 = vector.broadcast %slice3A_250 : vector<128x1xf32> to vector<128x128xf32>
    %mul3A_253 = arith.mulf %mul3A_251, %mul3A_252 : vector<128x128xf32>
    %sub3A_254 = vector.broadcast %mul3A_13 : vector<1x128xf32> to vector<128x128xf32>
    %sub3A_255 = arith.subf %mul3A_253, %sub3A_254 : vector<128x128xf32>
    %tanh3A_256 = math.tanh %sub3A_255 : vector<128x128xf32>
    %mul3A_257 = arith.constant 5.000000e-01 : f32
    %mul3A_258 = vector.broadcast %mul3A_257 : f32 to vector<128x128xf32>
    %mul3A_259 = arith.mulf %mul3A_258, %tanh3A_256 : vector<128x128xf32>
    %add3A_260 = arith.constant 5.000000e-01 : f32
    %add3A_261 = vector.broadcast %add3A_260 : f32 to vector<128x128xf32>
    %add3A_262 = arith.addf %mul3A_259, %add3A_261 : vector<128x128xf32>
    %swap3A_263 = arith.constant 1920 : index
    %swap3A_264 = arith.constant 0 : index
    %swap3A_265 = vector.load %arg5[%swap3A_263, %swap3A_264] : memref<8192x128xf32, #tpu.memory_space<vmem>>, vector<128x128xf32>
    tpu.vector_store %arg5[%swap3A_263, %swap3A_264], %add3A_262 {strides = array<i32>} : memref<8192x128xf32, #tpu.memory_space<vmem>>, vector<128x128xf32>,
    %slice3A_266 = vector.extract_strided_slice %transpose3A {offsets = [0, 16], sizes = [128, 1], strides = [1, 1]} : vector<128x64xf32> to vector<128x1xf32>
    %mul3A_267 = vector.broadcast %mul3A_9 : vector<1x128xf32> to vector<128x128xf32>
    %mul3A_268 = vector.broadcast %slice3A_266 : vector<128x1xf32> to vector<128x128xf32>
    %mul3A_269 = arith.mulf %mul3A_267, %mul3A_268 : vector<128x128xf32>
    %sub3A_270 = vector.broadcast %mul3A_13 : vector<1x128xf32> to vector<128x128xf32>
    %sub3A_271 = arith.subf %mul3A_269, %sub3A_270 : vector<128x128xf32>
    %tanh3A_272 = math.tanh %sub3A_271 : vector<128x128xf32>
    %mul3A_273 = arith.constant 5.000000e-01 : f32
    %mul3A_274 = vector.broadcast %mul3A_273 : f32 to vector<128x128xf32>
    %mul3A_275 = arith.mulf %mul3A_274, %tanh3A_272 : vector<128x128xf32>
    %add3A_276 = arith.constant 5.000000e-01 : f32
    %add3A_277 = vector.broadcast %add3A_276 : f32 to vector<128x128xf32>
    %add3A_278 = arith.addf %mul3A_275, %add3A_277 : vector<128x128xf32>
    %swap3A_279 = arith.constant 2048 : index
    %swap3A_280 = arith.constant 0 : index
    %swap3A_281 = vector.load %arg5[%swap3A_279, %swap3A_280] : memref<8192x128xf32, #tpu.memory_space<vmem>>, vector<128x128xf32>
    tpu.vector_store %arg5[%swap3A_279, %swap3A_280], %add3A_278 {strides = array<i32>} : memref<8192x128xf32, #tpu.memory_space<vmem>>, vector<128x128xf32>,
    %slice3A_282 = vector.extract_strided_slice %transpose3A {offsets = [0, 17], sizes = [128, 1], strides = [1, 1]} : vector<128x64xf32> to vector<128x1xf32>
    %mul3A_283 = vector.broadcast %mul3A_9 : vector<1x128xf32> to vector<128x128xf32>
    %mul3A_284 = vector.broadcast %slice3A_282 : vector<128x1xf32> to vector<128x128xf32>
    %mul3A_285 = arith.mulf %mul3A_283, %mul3A_284 : vector<128x128xf32>
    %sub3A_286 = vector.broadcast %mul3A_13 : vector<1x128xf32> to vector<128x128xf32>
    %sub3A_287 = arith.subf %mul3A_285, %sub3A_286 : vector<128x128xf32>
    %tanh3A_288 = math.tanh %sub3A_287 : vector<128x128xf32>
    %mul3A_289 = arith.constant 5.000000e-01 : f32
    %mul3A_290 = vector.broadcast %mul3A_289 : f32 to vector<128x128xf32>
    %mul3A_291 = arith.mulf %mul3A_290, %tanh3A_288 : vector<128x128xf32>
    %add3A_292 = arith.constant 5.000000e-01 : f32
    %add3A_293 = vector.broadcast %add3A_292 : f32 to vector<128x128xf32>
    %add3A_294 = arith.addf %mul3A_291, %add3A_293 : vector<128x128xf32>
    %swap3A_295 = arith.constant 2176 : index
    %swap3A_296 = arith.constant 0 : index
    %swap3A_297 = vector.load %arg5[%swap3A_295, %swap3A_296] : memref<8192x128xf32, #tpu.memory_space<vmem>>, vector<128x128xf32>
    tpu.vector_store %arg5[%swap3A_295, %swap3A_296], %add3A_294 {strides = array<i32>} : memref<8192x128xf32, #tpu.memory_space<vmem>>, vector<128x128xf32>,
    %slice3A_298 = vector.extract_strided_slice %transpose3A {offsets = [0, 18], sizes = [128, 1], strides = [1, 1]} : vector<128x64xf32> to vector<128x1xf32>
    %mul3A_299 = vector.broadcast %mul3A_9 : vector<1x128xf32> to vector<128x128xf32>
    %mul3A_300 = vector.broadcast %slice3A_298 : vector<128x1xf32> to vector<128x128xf32>
    %mul3A_301 = arith.mulf %mul3A_299, %mul3A_300 : vector<128x128xf32>
    %sub3A_302 = vector.broadcast %mul3A_13 : vector<1x128xf32> to vector<128x128xf32>
    %sub3A_303 = arith.subf %mul3A_301, %sub3A_302 : vector<128x128xf32>
    %tanh3A_304 = math.tanh %sub3A_303 : vector<128x128xf32>
    %mul3A_305 = arith.constant 5.000000e-01 : f32
    %mul3A_306 = vector.broadcast %mul3A_305 : f32 to vector<128x128xf32>
    %mul3A_307 = arith.mulf %mul3A_306, %tanh3A_304 : vector<128x128xf32>
    %add3A_308 = arith.constant 5.000000e-01 : f32
    %add3A_309 = vector.broadcast %add3A_308 : f32 to vector<128x128xf32>
    %add3A_310 = arith.addf %mul3A_307, %add3A_309 : vector<128x128xf32>
    %swap3A_311 = arith.constant 2304 : index
    %swap3A_312 = arith.constant 0 : index
    %swap3A_313 = vector.load %arg5[%swap3A_311, %swap3A_312] : memref<8192x128xf32, #tpu.memory_space<vmem>>, vector<128x128xf32>
    tpu.vector_store %arg5[%swap3A_311, %swap3A_312], %add3A_310 {strides = array<i32>} : memref<8192x128xf32, #tpu.memory_space<vmem>>, vector<128x128xf32>,
    %slice3A_314 = vector.extract_strided_slice %transpose3A {offsets = [0, 19], sizes = [128, 1], strides = [1, 1]} : vector<128x64xf32> to vector<128x1xf32>
    %mul3A_315 = vector.broadcast %mul3A_9 : vector<1x128xf32> to vector<128x128xf32>
    %mul3A_316 = vector.broadcast %slice3A_314 : vector<128x1xf32> to vector<128x128xf32>
    %mul3A_317 = arith.mulf %mul3A_315, %mul3A_316 : vector<128x128xf32>
    %sub3A_318 = vector.broadcast %mul3A_13 : vector<1x128xf32> to vector<128x128xf32>
    %sub3A_319 = arith.subf %mul3A_317, %sub3A_318 : vector<128x128xf32>
    %tanh3A_320 = math.tanh %sub3A_319 : vector<128x128xf32>
    %mul3A_321 = arith.constant 5.000000e-01 : f32
    %mul3A_322 = vector.broadcast %mul3A_321 : f32 to vector<128x128xf32>
    %mul3A_323 = arith.mulf %mul3A_322, %tanh3A_320 : vector<128x128xf32>
    %add3A_324 = arith.constant 5.000000e-01 : f32
    %add3A_325 = vector.broadcast %add3A_324 : f32 to vector<128x128xf32>
    %add3A_326 = arith.addf %mul3A_323, %add3A_325 : vector<128x128xf32>
    %swap3A_327 = arith.constant 2432 : index
    %swap3A_328 = arith.constant 0 : index
    %swap3A_329 = vector.load %arg5[%swap3A_327, %swap3A_328] : memref<8192x128xf32, #tpu.memory_space<vmem>>, vector<128x128xf32>
    tpu.vector_store %arg5[%swap3A_327, %swap3A_328], %add3A_326 {strides = array<i32>} : memref<8192x128xf32, #tpu.memory_space<vmem>>, vector<128x128xf32>,
    %slice3A_330 = vector.extract_strided_slice %transpose3A {offsets = [0, 20], sizes = [128, 1], strides = [1, 1]} : vector<128x64xf32> to vector<128x1xf32>
    %mul3A_331 = vector.broadcast %mul3A_9 : vector<1x128xf32> to vector<128x128xf32>
    %mul3A_332 = vector.broadcast %slice3A_330 : vector<128x1xf32> to vector<128x128xf32>
    %mul3A_333 = arith.mulf %mul3A_331, %mul3A_332 : vector<128x128xf32>
    %sub3A_334 = vector.broadcast %mul3A_13 : vector<1x128xf32> to vector<128x128xf32>
    %sub3A_335 = arith.subf %mul3A_333, %sub3A_334 : vector<128x128xf32>
    %tanh3A_336 = math.tanh %sub3A_335 : vector<128x128xf32>
    %mul3A_337 = arith.constant 5.000000e-01 : f32
    %mul3A_338 = vector.broadcast %mul3A_337 : f32 to vector<128x128xf32>
    %mul3A_339 = arith.mulf %mul3A_338, %tanh3A_336 : vector<128x128xf32>
    %add3A_340 = arith.constant 5.000000e-01 : f32
    %add3A_341 = vector.broadcast %add3A_340 : f32 to vector<128x128xf32>
    %add3A_342 = arith.addf %mul3A_339, %add3A_341 : vector<128x128xf32>
    %swap3A_343 = arith.constant 2560 : index
    %swap3A_344 = arith.constant 0 : index
    %swap3A_345 = vector.load %arg5[%swap3A_343, %swap3A_344] : memref<8192x128xf32, #tpu.memory_space<vmem>>, vector<128x128xf32>
    tpu.vector_store %arg5[%swap3A_343, %swap3A_344], %add3A_342 {strides = array<i32>} : memref<8192x128xf32, #tpu.memory_space<vmem>>, vector<128x128xf32>,
    %slice3A_346 = vector.extract_strided_slice %transpose3A {offsets = [0, 21], sizes = [128, 1], strides = [1, 1]} : vector<128x64xf32> to vector<128x1xf32>
    %mul3A_347 = vector.broadcast %mul3A_9 : vector<1x128xf32> to vector<128x128xf32>
    %mul3A_348 = vector.broadcast %slice3A_346 : vector<128x1xf32> to vector<128x128xf32>
    %mul3A_349 = arith.mulf %mul3A_347, %mul3A_348 : vector<128x128xf32>
    %sub3A_350 = vector.broadcast %mul3A_13 : vector<1x128xf32> to vector<128x128xf32>
    %sub3A_351 = arith.subf %mul3A_349, %sub3A_350 : vector<128x128xf32>
    %tanh3A_352 = math.tanh %sub3A_351 : vector<128x128xf32>
    %mul3A_353 = arith.constant 5.000000e-01 : f32
    %mul3A_354 = vector.broadcast %mul3A_353 : f32 to vector<128x128xf32>
    %mul3A_355 = arith.mulf %mul3A_354, %tanh3A_352 : vector<128x128xf32>
    %add3A_356 = arith.constant 5.000000e-01 : f32
    %add3A_357 = vector.broadcast %add3A_356 : f32 to vector<128x128xf32>
    %add3A_358 = arith.addf %mul3A_355, %add3A_357 : vector<128x128xf32>
    %swap3A_359 = arith.constant 2688 : index
    %swap3A_360 = arith.constant 0 : index
    %swap3A_361 = vector.load %arg5[%swap3A_359, %swap3A_360] : memref<8192x128xf32, #tpu.memory_space<vmem>>, vector<128x128xf32>
    tpu.vector_store %arg5[%swap3A_359, %swap3A_360], %add3A_358 {strides = array<i32>} : memref<8192x128xf32, #tpu.memory_space<vmem>>, vector<128x128xf32>,
    %slice3A_362 = vector.extract_strided_slice %transpose3A {offsets = [0, 22], sizes = [128, 1], strides = [1, 1]} : vector<128x64xf32> to vector<128x1xf32>
    %mul3A_363 = vector.broadcast %mul3A_9 : vector<1x128xf32> to vector<128x128xf32>
    %mul3A_364 = vector.broadcast %slice3A_362 : vector<128x1xf32> to vector<128x128xf32>
    %mul3A_365 = arith.mulf %mul3A_363, %mul3A_364 : vector<128x128xf32>
    %sub3A_366 = vector.broadcast %mul3A_13 : vector<1x128xf32> to vector<128x128xf32>
    %sub3A_367 = arith.subf %mul3A_365, %sub3A_366 : vector<128x128xf32>
    %tanh3A_368 = math.tanh %sub3A_367 : vector<128x128xf32>
    %mul3A_369 = arith.constant 5.000000e-01 : f32
    %mul3A_370 = vector.broadcast %mul3A_369 : f32 to vector<128x128xf32>
    %mul3A_371 = arith.mulf %mul3A_370, %tanh3A_368 : vector<128x128xf32>
    %add3A_372 = arith.constant 5.000000e-01 : f32
    %add3A_373 = vector.broadcast %add3A_372 : f32 to vector<128x128xf32>
    %add3A_374 = arith.addf %mul3A_371, %add3A_373 : vector<128x128xf32>
    %swap3A_375 = arith.constant 2816 : index
    %swap3A_376 = arith.constant 0 : index
    %swap3A_377 = vector.load %arg5[%swap3A_375, %swap3A_376] : memref<8192x128xf32, #tpu.memory_space<vmem>>, vector<128x128xf32>
    tpu.vector_store %arg5[%swap3A_375, %swap3A_376], %add3A_374 {strides = array<i32>} : memref<8192x128xf32, #tpu.memory_space<vmem>>, vector<128x128xf32>,
    %slice3A_378 = vector.extract_strided_slice %transpose3A {offsets = [0, 23], sizes = [128, 1], strides = [1, 1]} : vector<128x64xf32> to vector<128x1xf32>
    %mul3A_379 = vector.broadcast %mul3A_9 : vector<1x128xf32> to vector<128x128xf32>
    %mul3A_380 = vector.broadcast %slice3A_378 : vector<128x1xf32> to vector<128x128xf32>
    %mul3A_381 = arith.mulf %mul3A_379, %mul3A_380 : vector<128x128xf32>
    %sub3A_382 = vector.broadcast %mul3A_13 : vector<1x128xf32> to vector<128x128xf32>
    %sub3A_383 = arith.subf %mul3A_381, %sub3A_382 : vector<128x128xf32>
    %tanh3A_384 = math.tanh %sub3A_383 : vector<128x128xf32>
    %mul3A_385 = arith.constant 5.000000e-01 : f32
    %mul3A_386 = vector.broadcast %mul3A_385 : f32 to vector<128x128xf32>
    %mul3A_387 = arith.mulf %mul3A_386, %tanh3A_384 : vector<128x128xf32>
    %add3A_388 = arith.constant 5.000000e-01 : f32
    %add3A_389 = vector.broadcast %add3A_388 : f32 to vector<128x128xf32>
    %add3A_390 = arith.addf %mul3A_387, %add3A_389 : vector<128x128xf32>
    %swap3A_391 = arith.constant 2944 : index
    %swap3A_392 = arith.constant 0 : index
    %swap3A_393 = vector.load %arg5[%swap3A_391, %swap3A_392] : memref<8192x128xf32, #tpu.memory_space<vmem>>, vector<128x128xf32>
    tpu.vector_store %arg5[%swap3A_391, %swap3A_392], %add3A_390 {strides = array<i32>} : memref<8192x128xf32, #tpu.memory_space<vmem>>, vector<128x128xf32>,
    %slice3A_394 = vector.extract_strided_slice %transpose3A {offsets = [0, 24], sizes = [128, 1], strides = [1, 1]} : vector<128x64xf32> to vector<128x1xf32>
    %mul3A_395 = vector.broadcast %mul3A_9 : vector<1x128xf32> to vector<128x128xf32>
    %mul3A_396 = vector.broadcast %slice3A_394 : vector<128x1xf32> to vector<128x128xf32>
    %mul3A_397 = arith.mulf %mul3A_395, %mul3A_396 : vector<128x128xf32>
    %sub3A_398 = vector.broadcast %mul3A_13 : vector<1x128xf32> to vector<128x128xf32>
    %sub3A_399 = arith.subf %mul3A_397, %sub3A_398 : vector<128x128xf32>
    %tanh3A_400 = math.tanh %sub3A_399 : vector<128x128xf32>
    %mul3A_401 = arith.constant 5.000000e-01 : f32
    %mul3A_402 = vector.broadcast %mul3A_401 : f32 to vector<128x128xf32>
    %mul3A_403 = arith.mulf %mul3A_402, %tanh3A_400 : vector<128x128xf32>
    %add3A_404 = arith.constant 5.000000e-01 : f32
    %add3A_405 = vector.broadcast %add3A_404 : f32 to vector<128x128xf32>
    %add3A_406 = arith.addf %mul3A_403, %add3A_405 : vector<128x128xf32>
    %swap3A_407 = arith.constant 3072 : index
    %swap3A_408 = arith.constant 0 : index
    %swap3A_409 = vector.load %arg5[%swap3A_407, %swap3A_408] : memref<8192x128xf32, #tpu.memory_space<vmem>>, vector<128x128xf32>
    tpu.vector_store %arg5[%swap3A_407, %swap3A_408], %add3A_406 {strides = array<i32>} : memref<8192x128xf32, #tpu.memory_space<vmem>>, vector<128x128xf32>,
    %slice3A_410 = vector.extract_strided_slice %transpose3A {offsets = [0, 25], sizes = [128, 1], strides = [1, 1]} : vector<128x64xf32> to vector<128x1xf32>
    %mul3A_411 = vector.broadcast %mul3A_9 : vector<1x128xf32> to vector<128x128xf32>
    %mul3A_412 = vector.broadcast %slice3A_410 : vector<128x1xf32> to vector<128x128xf32>
    %mul3A_413 = arith.mulf %mul3A_411, %mul3A_412 : vector<128x128xf32>
    %sub3A_414 = vector.broadcast %mul3A_13 : vector<1x128xf32> to vector<128x128xf32>
    %sub3A_415 = arith.subf %mul3A_413, %sub3A_414 : vector<128x128xf32>
    %tanh3A_416 = math.tanh %sub3A_415 : vector<128x128xf32>
    %mul3A_417 = arith.constant 5.000000e-01 : f32
    %mul3A_418 = vector.broadcast %mul3A_417 : f32 to vector<128x128xf32>
    %mul3A_419 = arith.mulf %mul3A_418, %tanh3A_416 : vector<128x128xf32>
    %add3A_420 = arith.constant 5.000000e-01 : f32
    %add3A_421 = vector.broadcast %add3A_420 : f32 to vector<128x128xf32>
    %add3A_422 = arith.addf %mul3A_419, %add3A_421 : vector<128x128xf32>
    %swap3A_423 = arith.constant 3200 : index
    %swap3A_424 = arith.constant 0 : index
    %swap3A_425 = vector.load %arg5[%swap3A_423, %swap3A_424] : memref<8192x128xf32, #tpu.memory_space<vmem>>, vector<128x128xf32>
    tpu.vector_store %arg5[%swap3A_423, %swap3A_424], %add3A_422 {strides = array<i32>} : memref<8192x128xf32, #tpu.memory_space<vmem>>, vector<128x128xf32>,
    %slice3A_426 = vector.extract_strided_slice %transpose3A {offsets = [0, 26], sizes = [128, 1], strides = [1, 1]} : vector<128x64xf32> to vector<128x1xf32>
    %mul3A_427 = vector.broadcast %mul3A_9 : vector<1x128xf32> to vector<128x128xf32>
    %mul3A_428 = vector.broadcast %slice3A_426 : vector<128x1xf32> to vector<128x128xf32>
    %mul3A_429 = arith.mulf %mul3A_427, %mul3A_428 : vector<128x128xf32>
    %sub3A_430 = vector.broadcast %mul3A_13 : vector<1x128xf32> to vector<128x128xf32>
    %sub3A_431 = arith.subf %mul3A_429, %sub3A_430 : vector<128x128xf32>
    %tanh3A_432 = math.tanh %sub3A_431 : vector<128x128xf32>
    %mul3A_433 = arith.constant 5.000000e-01 : f32
    %mul3A_434 = vector.broadcast %mul3A_433 : f32 to vector<128x128xf32>
    %mul3A_435 = arith.mulf %mul3A_434, %tanh3A_432 : vector<128x128xf32>
    %add3A_436 = arith.constant 5.000000e-01 : f32
    %add3A_437 = vector.broadcast %add3A_436 : f32 to vector<128x128xf32>
    %add3A_438 = arith.addf %mul3A_435, %add3A_437 : vector<128x128xf32>
    %swap3A_439 = arith.constant 3328 : index
    %swap3A_440 = arith.constant 0 : index
    %swap3A_441 = vector.load %arg5[%swap3A_439, %swap3A_440] : memref<8192x128xf32, #tpu.memory_space<vmem>>, vector<128x128xf32>
    tpu.vector_store %arg5[%swap3A_439, %swap3A_440], %add3A_438 {strides = array<i32>} : memref<8192x128xf32, #tpu.memory_space<vmem>>, vector<128x128xf32>,
    %slice3A_442 = vector.extract_strided_slice %transpose3A {offsets = [0, 27], sizes = [128, 1], strides = [1, 1]} : vector<128x64xf32> to vector<128x1xf32>
    %mul3A_443 = vector.broadcast %mul3A_9 : vector<1x128xf32> to vector<128x128xf32>
    %mul3A_444 = vector.broadcast %slice3A_442 : vector<128x1xf32> to vector<128x128xf32>
    %mul3A_445 = arith.mulf %mul3A_443, %mul3A_444 : vector<128x128xf32>
    %sub3A_446 = vector.broadcast %mul3A_13 : vector<1x128xf32> to vector<128x128xf32>
    %sub3A_447 = arith.subf %mul3A_445, %sub3A_446 : vector<128x128xf32>
    %tanh3A_448 = math.tanh %sub3A_447 : vector<128x128xf32>
    %mul3A_449 = arith.constant 5.000000e-01 : f32
    %mul3A_450 = vector.broadcast %mul3A_449 : f32 to vector<128x128xf32>
    %mul3A_451 = arith.mulf %mul3A_450, %tanh3A_448 : vector<128x128xf32>
    %add3A_452 = arith.constant 5.000000e-01 : f32
    %add3A_453 = vector.broadcast %add3A_452 : f32 to vector<128x128xf32>
    %add3A_454 = arith.addf %mul3A_451, %add3A_453 : vector<128x128xf32>
    %swap3A_455 = arith.constant 3456 : index
    %swap3A_456 = arith.constant 0 : index
    %swap3A_457 = vector.load %arg5[%swap3A_455, %swap3A_456] : memref<8192x128xf32, #tpu.memory_space<vmem>>, vector<128x128xf32>
    tpu.vector_store %arg5[%swap3A_455, %swap3A_456], %add3A_454 {strides = array<i32>} : memref<8192x128xf32, #tpu.memory_space<vmem>>, vector<128x128xf32>,
    %slice3A_458 = vector.extract_strided_slice %transpose3A {offsets = [0, 28], sizes = [128, 1], strides = [1, 1]} : vector<128x64xf32> to vector<128x1xf32>
    %mul3A_459 = vector.broadcast %mul3A_9 : vector<1x128xf32> to vector<128x128xf32>
    %mul3A_460 = vector.broadcast %slice3A_458 : vector<128x1xf32> to vector<128x128xf32>
    %mul3A_461 = arith.mulf %mul3A_459, %mul3A_460 : vector<128x128xf32>
    %sub3A_462 = vector.broadcast %mul3A_13 : vector<1x128xf32> to vector<128x128xf32>
    %sub3A_463 = arith.subf %mul3A_461, %sub3A_462 : vector<128x128xf32>
    %tanh3A_464 = math.tanh %sub3A_463 : vector<128x128xf32>
    %mul3A_465 = arith.constant 5.000000e-01 : f32
    %mul3A_466 = vector.broadcast %mul3A_465 : f32 to vector<128x128xf32>
    %mul3A_467 = arith.mulf %mul3A_466, %tanh3A_464 : vector<128x128xf32>
    %add3A_468 = arith.constant 5.000000e-01 : f32
    %add3A_469 = vector.broadcast %add3A_468 : f32 to vector<128x128xf32>
    %add3A_470 = arith.addf %mul3A_467, %add3A_469 : vector<128x128xf32>
    %swap3A_471 = arith.constant 3584 : index
    %swap3A_472 = arith.constant 0 : index
    %swap3A_473 = vector.load %arg5[%swap3A_471, %swap3A_472] : memref<8192x128xf32, #tpu.memory_space<vmem>>, vector<128x128xf32>
    tpu.vector_store %arg5[%swap3A_471, %swap3A_472], %add3A_470 {strides = array<i32>} : memref<8192x128xf32, #tpu.memory_space<vmem>>, vector<128x128xf32>,
    %slice3A_474 = vector.extract_strided_slice %transpose3A {offsets = [0, 29], sizes = [128, 1], strides = [1, 1]} : vector<128x64xf32> to vector<128x1xf32>
    %mul3A_475 = vector.broadcast %mul3A_9 : vector<1x128xf32> to vector<128x128xf32>
    %mul3A_476 = vector.broadcast %slice3A_474 : vector<128x1xf32> to vector<128x128xf32>
    %mul3A_477 = arith.mulf %mul3A_475, %mul3A_476 : vector<128x128xf32>
    %sub3A_478 = vector.broadcast %mul3A_13 : vector<1x128xf32> to vector<128x128xf32>
    %sub3A_479 = arith.subf %mul3A_477, %sub3A_478 : vector<128x128xf32>
    %tanh3A_480 = math.tanh %sub3A_479 : vector<128x128xf32>
    %mul3A_481 = arith.constant 5.000000e-01 : f32
    %mul3A_482 = vector.broadcast %mul3A_481 : f32 to vector<128x128xf32>
    %mul3A_483 = arith.mulf %mul3A_482, %tanh3A_480 : vector<128x128xf32>
    %add3A_484 = arith.constant 5.000000e-01 : f32
    %add3A_485 = vector.broadcast %add3A_484 : f32 to vector<128x128xf32>
    %add3A_486 = arith.addf %mul3A_483, %add3A_485 : vector<128x128xf32>
    %swap3A_487 = arith.constant 3712 : index
    %swap3A_488 = arith.constant 0 : index
    %swap3A_489 = vector.load %arg5[%swap3A_487, %swap3A_488] : memref<8192x128xf32, #tpu.memory_space<vmem>>, vector<128x128xf32>
    tpu.vector_store %arg5[%swap3A_487, %swap3A_488], %add3A_486 {strides = array<i32>} : memref<8192x128xf32, #tpu.memory_space<vmem>>, vector<128x128xf32>,
    %slice3A_490 = vector.extract_strided_slice %transpose3A {offsets = [0, 30], sizes = [128, 1], strides = [1, 1]} : vector<128x64xf32> to vector<128x1xf32>
    %mul3A_491 = vector.broadcast %mul3A_9 : vector<1x128xf32> to vector<128x128xf32>
    %mul3A_492 = vector.broadcast %slice3A_490 : vector<128x1xf32> to vector<128x128xf32>
    %mul3A_493 = arith.mulf %mul3A_491, %mul3A_492 : vector<128x128xf32>
    %sub3A_494 = vector.broadcast %mul3A_13 : vector<1x128xf32> to vector<128x128xf32>
    %sub3A_495 = arith.subf %mul3A_493, %sub3A_494 : vector<128x128xf32>
    %tanh3A_496 = math.tanh %sub3A_495 : vector<128x128xf32>
    %mul3A_497 = arith.constant 5.000000e-01 : f32
    %mul3A_498 = vector.broadcast %mul3A_497 : f32 to vector<128x128xf32>
    %mul3A_499 = arith.mulf %mul3A_498, %tanh3A_496 : vector<128x128xf32>
    %add3A_500 = arith.constant 5.000000e-01 : f32
    %add3A_501 = vector.broadcast %add3A_500 : f32 to vector<128x128xf32>
    %add3A_502 = arith.addf %mul3A_499, %add3A_501 : vector<128x128xf32>
    %swap3A_503 = arith.constant 3840 : index
    %swap3A_504 = arith.constant 0 : index
    %swap3A_505 = vector.load %arg5[%swap3A_503, %swap3A_504] : memref<8192x128xf32, #tpu.memory_space<vmem>>, vector<128x128xf32>
    tpu.vector_store %arg5[%swap3A_503, %swap3A_504], %add3A_502 {strides = array<i32>} : memref<8192x128xf32, #tpu.memory_space<vmem>>, vector<128x128xf32>,
    %slice3A_506 = vector.extract_strided_slice %transpose3A {offsets = [0, 31], sizes = [128, 1], strides = [1, 1]} : vector<128x64xf32> to vector<128x1xf32>
    %mul3A_507 = vector.broadcast %mul3A_9 : vector<1x128xf32> to vector<128x128xf32>
    %mul3A_508 = vector.broadcast %slice3A_506 : vector<128x1xf32> to vector<128x128xf32>
    %mul3A_509 = arith.mulf %mul3A_507, %mul3A_508 : vector<128x128xf32>
    %sub3A_510 = vector.broadcast %mul3A_13 : vector<1x128xf32> to vector<128x128xf32>
    %sub3A_511 = arith.subf %mul3A_509, %sub3A_510 : vector<128x128xf32>
    %tanh3A_512 = math.tanh %sub3A_511 : vector<128x128xf32>
    %mul3A_513 = arith.constant 5.000000e-01 : f32
    %mul3A_514 = vector.broadcast %mul3A_513 : f32 to vector<128x128xf32>
    %mul3A_515 = arith.mulf %mul3A_514, %tanh3A_512 : vector<128x128xf32>
    %add3A_516 = arith.constant 5.000000e-01 : f32
    %add3A_517 = vector.broadcast %add3A_516 : f32 to vector<128x128xf32>
    %add3A_518 = arith.addf %mul3A_515, %add3A_517 : vector<128x128xf32>
    %swap3A_519 = arith.constant 3968 : index
    %swap3A_520 = arith.constant 0 : index
    %swap3A_521 = vector.load %arg5[%swap3A_519, %swap3A_520] : memref<8192x128xf32, #tpu.memory_space<vmem>>, vector<128x128xf32>
    tpu.vector_store %arg5[%swap3A_519, %swap3A_520], %add3A_518 {strides = array<i32>} : memref<8192x128xf32, #tpu.memory_space<vmem>>, vector<128x128xf32>,
    %slice3A_522 = vector.extract_strided_slice %transpose3A {offsets = [0, 32], sizes = [128, 1], strides = [1, 1]} : vector<128x64xf32> to vector<128x1xf32>
    %mul3A_523 = vector.broadcast %mul3A_9 : vector<1x128xf32> to vector<128x128xf32>
    %mul3A_524 = vector.broadcast %slice3A_522 : vector<128x1xf32> to vector<128x128xf32>
    %mul3A_525 = arith.mulf %mul3A_523, %mul3A_524 : vector<128x128xf32>
    %sub3A_526 = vector.broadcast %mul3A_13 : vector<1x128xf32> to vector<128x128xf32>
    %sub3A_527 = arith.subf %mul3A_525, %sub3A_526 : vector<128x128xf32>
    %tanh3A_528 = math.tanh %sub3A_527 : vector<128x128xf32>
    %mul3A_529 = arith.constant 5.000000e-01 : f32
    %mul3A_530 = vector.broadcast %mul3A_529 : f32 to vector<128x128xf32>
    %mul3A_531 = arith.mulf %mul3A_530, %tanh3A_528 : vector<128x128xf32>
    %add3A_532 = arith.constant 5.000000e-01 : f32
    %add3A_533 = vector.broadcast %add3A_532 : f32 to vector<128x128xf32>
    %add3A_534 = arith.addf %mul3A_531, %add3A_533 : vector<128x128xf32>
    %swap3A_535 = arith.constant 4096 : index
    %swap3A_536 = arith.constant 0 : index
    %swap3A_537 = vector.load %arg5[%swap3A_535, %swap3A_536] : memref<8192x128xf32, #tpu.memory_space<vmem>>, vector<128x128xf32>
    tpu.vector_store %arg5[%swap3A_535, %swap3A_536], %add3A_534 {strides = array<i32>} : memref<8192x128xf32, #tpu.memory_space<vmem>>, vector<128x128xf32>,
    %slice3A_538 = vector.extract_strided_slice %transpose3A {offsets = [0, 33], sizes = [128, 1], strides = [1, 1]} : vector<128x64xf32> to vector<128x1xf32>
    %mul3A_539 = vector.broadcast %mul3A_9 : vector<1x128xf32> to vector<128x128xf32>
    %mul3A_540 = vector.broadcast %slice3A_538 : vector<128x1xf32> to vector<128x128xf32>
    %mul3A_541 = arith.mulf %mul3A_539, %mul3A_540 : vector<128x128xf32>
    %sub3A_542 = vector.broadcast %mul3A_13 : vector<1x128xf32> to vector<128x128xf32>
    %sub3A_543 = arith.subf %mul3A_541, %sub3A_542 : vector<128x128xf32>
    %tanh3A_544 = math.tanh %sub3A_543 : vector<128x128xf32>
    %mul3A_545 = arith.constant 5.000000e-01 : f32
    %mul3A_546 = vector.broadcast %mul3A_545 : f32 to vector<128x128xf32>
    %mul3A_547 = arith.mulf %mul3A_546, %tanh3A_544 : vector<128x128xf32>
    %add3A_548 = arith.constant 5.000000e-01 : f32
    %add3A_549 = vector.broadcast %add3A_548 : f32 to vector<128x128xf32>
    %add3A_550 = arith.addf %mul3A_547, %add3A_549 : vector<128x128xf32>
    %swap3A_551 = arith.constant 4224 : index
    %swap3A_552 = arith.constant 0 : index
    %swap3A_553 = vector.load %arg5[%swap3A_551, %swap3A_552] : memref<8192x128xf32, #tpu.memory_space<vmem>>, vector<128x128xf32>
    tpu.vector_store %arg5[%swap3A_551, %swap3A_552], %add3A_550 {strides = array<i32>} : memref<8192x128xf32, #tpu.memory_space<vmem>>, vector<128x128xf32>,
    %slice3A_554 = vector.extract_strided_slice %transpose3A {offsets = [0, 34], sizes = [128, 1], strides = [1, 1]} : vector<128x64xf32> to vector<128x1xf32>
    %mul3A_555 = vector.broadcast %mul3A_9 : vector<1x128xf32> to vector<128x128xf32>
    %mul3A_556 = vector.broadcast %slice3A_554 : vector<128x1xf32> to vector<128x128xf32>
    %mul3A_557 = arith.mulf %mul3A_555, %mul3A_556 : vector<128x128xf32>
    %sub3A_558 = vector.broadcast %mul3A_13 : vector<1x128xf32> to vector<128x128xf32>
    %sub3A_559 = arith.subf %mul3A_557, %sub3A_558 : vector<128x128xf32>
    %tanh3A_560 = math.tanh %sub3A_559 : vector<128x128xf32>
    %mul3A_561 = arith.constant 5.000000e-01 : f32
    %mul3A_562 = vector.broadcast %mul3A_561 : f32 to vector<128x128xf32>
    %mul3A_563 = arith.mulf %mul3A_562, %tanh3A_560 : vector<128x128xf32>
    %add3A_564 = arith.constant 5.000000e-01 : f32
    %add3A_565 = vector.broadcast %add3A_564 : f32 to vector<128x128xf32>
    %add3A_566 = arith.addf %mul3A_563, %add3A_565 : vector<128x128xf32>
    %swap3A_567 = arith.constant 4352 : index
    %swap3A_568 = arith.constant 0 : index
    %swap3A_569 = vector.load %arg5[%swap3A_567, %swap3A_568] : memref<8192x128xf32, #tpu.memory_space<vmem>>, vector<128x128xf32>
    tpu.vector_store %arg5[%swap3A_567, %swap3A_568], %add3A_566 {strides = array<i32>} : memref<8192x128xf32, #tpu.memory_space<vmem>>, vector<128x128xf32>,
    %slice3A_570 = vector.extract_strided_slice %transpose3A {offsets = [0, 35], sizes = [128, 1], strides = [1, 1]} : vector<128x64xf32> to vector<128x1xf32>
    %mul3A_571 = vector.broadcast %mul3A_9 : vector<1x128xf32> to vector<128x128xf32>
    %mul3A_572 = vector.broadcast %slice3A_570 : vector<128x1xf32> to vector<128x128xf32>
    %mul3A_573 = arith.mulf %mul3A_571, %mul3A_572 : vector<128x128xf32>
    %sub3A_574 = vector.broadcast %mul3A_13 : vector<1x128xf32> to vector<128x128xf32>
    %sub3A_575 = arith.subf %mul3A_573, %sub3A_574 : vector<128x128xf32>
    %tanh3A_576 = math.tanh %sub3A_575 : vector<128x128xf32>
    %mul3A_577 = arith.constant 5.000000e-01 : f32
    %mul3A_578 = vector.broadcast %mul3A_577 : f32 to vector<128x128xf32>
    %mul3A_579 = arith.mulf %mul3A_578, %tanh3A_576 : vector<128x128xf32>
    %add3A_580 = arith.constant 5.000000e-01 : f32
    %add3A_581 = vector.broadcast %add3A_580 : f32 to vector<128x128xf32>
    %add3A_582 = arith.addf %mul3A_579, %add3A_581 : vector<128x128xf32>
    %swap3A_583 = arith.constant 4480 : index
    %swap3A_584 = arith.constant 0 : index
    %swap3A_585 = vector.load %arg5[%swap3A_583, %swap3A_584] : memref<8192x128xf32, #tpu.memory_space<vmem>>, vector<128x128xf32>
    tpu.vector_store %arg5[%swap3A_583, %swap3A_584], %add3A_582 {strides = array<i32>} : memref<8192x128xf32, #tpu.memory_space<vmem>>, vector<128x128xf32>,
    %slice3A_586 = vector.extract_strided_slice %transpose3A {offsets = [0, 36], sizes = [128, 1], strides = [1, 1]} : vector<128x64xf32> to vector<128x1xf32>
    %mul3A_587 = vector.broadcast %mul3A_9 : vector<1x128xf32> to vector<128x128xf32>
    %mul3A_588 = vector.broadcast %slice3A_586 : vector<128x1xf32> to vector<128x128xf32>
    %mul3A_589 = arith.mulf %mul3A_587, %mul3A_588 : vector<128x128xf32>
    %sub3A_590 = vector.broadcast %mul3A_13 : vector<1x128xf32> to vector<128x128xf32>
    %sub3A_591 = arith.subf %mul3A_589, %sub3A_590 : vector<128x128xf32>
    %tanh3A_592 = math.tanh %sub3A_591 : vector<128x128xf32>
    %mul3A_593 = arith.constant 5.000000e-01 : f32
    %mul3A_594 = vector.broadcast %mul3A_593 : f32 to vector<128x128xf32>
    %mul3A_595 = arith.mulf %mul3A_594, %tanh3A_592 : vector<128x128xf32>
    %add3A_596 = arith.constant 5.000000e-01 : f32
    %add3A_597 = vector.broadcast %add3A_596 : f32 to vector<128x128xf32>
    %add3A_598 = arith.addf %mul3A_595, %add3A_597 : vector<128x128xf32>
    %swap3A_599 = arith.constant 4608 : index
    %swap3A_600 = arith.constant 0 : index
    %swap3A_601 = vector.load %arg5[%swap3A_599, %swap3A_600] : memref<8192x128xf32, #tpu.memory_space<vmem>>, vector<128x128xf32>
    tpu.vector_store %arg5[%swap3A_599, %swap3A_600], %add3A_598 {strides = array<i32>} : memref<8192x128xf32, #tpu.memory_space<vmem>>, vector<128x128xf32>,
    %slice3A_602 = vector.extract_strided_slice %transpose3A {offsets = [0, 37], sizes = [128, 1], strides = [1, 1]} : vector<128x64xf32> to vector<128x1xf32>
    %mul3A_603 = vector.broadcast %mul3A_9 : vector<1x128xf32> to vector<128x128xf32>
    %mul3A_604 = vector.broadcast %slice3A_602 : vector<128x1xf32> to vector<128x128xf32>
    %mul3A_605 = arith.mulf %mul3A_603, %mul3A_604 : vector<128x128xf32>
    %sub3A_606 = vector.broadcast %mul3A_13 : vector<1x128xf32> to vector<128x128xf32>
    %sub3A_607 = arith.subf %mul3A_605, %sub3A_606 : vector<128x128xf32>
    %tanh3A_608 = math.tanh %sub3A_607 : vector<128x128xf32>
    %mul3A_609 = arith.constant 5.000000e-01 : f32
    %mul3A_610 = vector.broadcast %mul3A_609 : f32 to vector<128x128xf32>
    %mul3A_611 = arith.mulf %mul3A_610, %tanh3A_608 : vector<128x128xf32>
    %add3A_612 = arith.constant 5.000000e-01 : f32
    %add3A_613 = vector.broadcast %add3A_612 : f32 to vector<128x128xf32>
    %add3A_614 = arith.addf %mul3A_611, %add3A_613 : vector<128x128xf32>
    %swap3A_615 = arith.constant 4736 : index
    %swap3A_616 = arith.constant 0 : index
    %swap3A_617 = vector.load %arg5[%swap3A_615, %swap3A_616] : memref<8192x128xf32, #tpu.memory_space<vmem>>, vector<128x128xf32>
    tpu.vector_store %arg5[%swap3A_615, %swap3A_616], %add3A_614 {strides = array<i32>} : memref<8192x128xf32, #tpu.memory_space<vmem>>, vector<128x128xf32>,
    %slice3A_618 = vector.extract_strided_slice %transpose3A {offsets = [0, 38], sizes = [128, 1], strides = [1, 1]} : vector<128x64xf32> to vector<128x1xf32>
    %mul3A_619 = vector.broadcast %mul3A_9 : vector<1x128xf32> to vector<128x128xf32>
    %mul3A_620 = vector.broadcast %slice3A_618 : vector<128x1xf32> to vector<128x128xf32>
    %mul3A_621 = arith.mulf %mul3A_619, %mul3A_620 : vector<128x128xf32>
    %sub3A_622 = vector.broadcast %mul3A_13 : vector<1x128xf32> to vector<128x128xf32>
    %sub3A_623 = arith.subf %mul3A_621, %sub3A_622 : vector<128x128xf32>
    %tanh3A_624 = math.tanh %sub3A_623 : vector<128x128xf32>
    %mul3A_625 = arith.constant 5.000000e-01 : f32
    %mul3A_626 = vector.broadcast %mul3A_625 : f32 to vector<128x128xf32>
    %mul3A_627 = arith.mulf %mul3A_626, %tanh3A_624 : vector<128x128xf32>
    %add3A_628 = arith.constant 5.000000e-01 : f32
    %add3A_629 = vector.broadcast %add3A_628 : f32 to vector<128x128xf32>
    %add3A_630 = arith.addf %mul3A_627, %add3A_629 : vector<128x128xf32>
    %swap3A_631 = arith.constant 4864 : index
    %swap3A_632 = arith.constant 0 : index
    %swap3A_633 = vector.load %arg5[%swap3A_631, %swap3A_632] : memref<8192x128xf32, #tpu.memory_space<vmem>>, vector<128x128xf32>
    tpu.vector_store %arg5[%swap3A_631, %swap3A_632], %add3A_630 {strides = array<i32>} : memref<8192x128xf32, #tpu.memory_space<vmem>>, vector<128x128xf32>,
    %slice3A_634 = vector.extract_strided_slice %transpose3A {offsets = [0, 39], sizes = [128, 1], strides = [1, 1]} : vector<128x64xf32> to vector<128x1xf32>
    %mul3A_635 = vector.broadcast %mul3A_9 : vector<1x128xf32> to vector<128x128xf32>
    %mul3A_636 = vector.broadcast %slice3A_634 : vector<128x1xf32> to vector<128x128xf32>
    %mul3A_637 = arith.mulf %mul3A_635, %mul3A_636 : vector<128x128xf32>
    %sub3A_638 = vector.broadcast %mul3A_13 : vector<1x128xf32> to vector<128x128xf32>
    %sub3A_639 = arith.subf %mul3A_637, %sub3A_638 : vector<128x128xf32>
    %tanh3A_640 = math.tanh %sub3A_639 : vector<128x128xf32>
    %mul3A_641 = arith.constant 5.000000e-01 : f32
    %mul3A_642 = vector.broadcast %mul3A_641 : f32 to vector<128x128xf32>
    %mul3A_643 = arith.mulf %mul3A_642, %tanh3A_640 : vector<128x128xf32>
    %add3A_644 = arith.constant 5.000000e-01 : f32
    %add3A_645 = vector.broadcast %add3A_644 : f32 to vector<128x128xf32>
    %add3A_646 = arith.addf %mul3A_643, %add3A_645 : vector<128x128xf32>
    %swap3A_647 = arith.constant 4992 : index
    %swap3A_648 = arith.constant 0 : index
    %swap3A_649 = vector.load %arg5[%swap3A_647, %swap3A_648] : memref<8192x128xf32, #tpu.memory_space<vmem>>, vector<128x128xf32>
    tpu.vector_store %arg5[%swap3A_647, %swap3A_648], %add3A_646 {strides = array<i32>} : memref<8192x128xf32, #tpu.memory_space<vmem>>, vector<128x128xf32>,
    %slice3A_650 = vector.extract_strided_slice %transpose3A {offsets = [0, 40], sizes = [128, 1], strides = [1, 1]} : vector<128x64xf32> to vector<128x1xf32>
    %mul3A_651 = vector.broadcast %mul3A_9 : vector<1x128xf32> to vector<128x128xf32>
    %mul3A_652 = vector.broadcast %slice3A_650 : vector<128x1xf32> to vector<128x128xf32>
    %mul3A_653 = arith.mulf %mul3A_651, %mul3A_652 : vector<128x128xf32>
    %sub3A_654 = vector.broadcast %mul3A_13 : vector<1x128xf32> to vector<128x128xf32>
    %sub3A_655 = arith.subf %mul3A_653, %sub3A_654 : vector<128x128xf32>
    %tanh3A_656 = math.tanh %sub3A_655 : vector<128x128xf32>
    %mul3A_657 = arith.constant 5.000000e-01 : f32
    %mul3A_658 = vector.broadcast %mul3A_657 : f32 to vector<128x128xf32>
    %mul3A_659 = arith.mulf %mul3A_658, %tanh3A_656 : vector<128x128xf32>
    %add3A_660 = arith.constant 5.000000e-01 : f32
    %add3A_661 = vector.broadcast %add3A_660 : f32 to vector<128x128xf32>
    %add3A_662 = arith.addf %mul3A_659, %add3A_661 : vector<128x128xf32>
    %swap3A_663 = arith.constant 5120 : index
    %swap3A_664 = arith.constant 0 : index
    %swap3A_665 = vector.load %arg5[%swap3A_663, %swap3A_664] : memref<8192x128xf32, #tpu.memory_space<vmem>>, vector<128x128xf32>
    tpu.vector_store %arg5[%swap3A_663, %swap3A_664], %add3A_662 {strides = array<i32>} : memref<8192x128xf32, #tpu.memory_space<vmem>>, vector<128x128xf32>,
    %slice3A_666 = vector.extract_strided_slice %transpose3A {offsets = [0, 41], sizes = [128, 1], strides = [1, 1]} : vector<128x64xf32> to vector<128x1xf32>
    %mul3A_667 = vector.broadcast %mul3A_9 : vector<1x128xf32> to vector<128x128xf32>
    %mul3A_668 = vector.broadcast %slice3A_666 : vector<128x1xf32> to vector<128x128xf32>
    %mul3A_669 = arith.mulf %mul3A_667, %mul3A_668 : vector<128x128xf32>
    %sub3A_670 = vector.broadcast %mul3A_13 : vector<1x128xf32> to vector<128x128xf32>
    %sub3A_671 = arith.subf %mul3A_669, %sub3A_670 : vector<128x128xf32>
    %tanh3A_672 = math.tanh %sub3A_671 : vector<128x128xf32>
    %mul3A_673 = arith.constant 5.000000e-01 : f32
    %mul3A_674 = vector.broadcast %mul3A_673 : f32 to vector<128x128xf32>
    %mul3A_675 = arith.mulf %mul3A_674, %tanh3A_672 : vector<128x128xf32>
    %add3A_676 = arith.constant 5.000000e-01 : f32
    %add3A_677 = vector.broadcast %add3A_676 : f32 to vector<128x128xf32>
    %add3A_678 = arith.addf %mul3A_675, %add3A_677 : vector<128x128xf32>
    %swap3A_679 = arith.constant 5248 : index
    %swap3A_680 = arith.constant 0 : index
    %swap3A_681 = vector.load %arg5[%swap3A_679, %swap3A_680] : memref<8192x128xf32, #tpu.memory_space<vmem>>, vector<128x128xf32>
    tpu.vector_store %arg5[%swap3A_679, %swap3A_680], %add3A_678 {strides = array<i32>} : memref<8192x128xf32, #tpu.memory_space<vmem>>, vector<128x128xf32>,
    %slice3A_682 = vector.extract_strided_slice %transpose3A {offsets = [0, 42], sizes = [128, 1], strides = [1, 1]} : vector<128x64xf32> to vector<128x1xf32>
    %mul3A_683 = vector.broadcast %mul3A_9 : vector<1x128xf32> to vector<128x128xf32>
    %mul3A_684 = vector.broadcast %slice3A_682 : vector<128x1xf32> to vector<128x128xf32>
    %mul3A_685 = arith.mulf %mul3A_683, %mul3A_684 : vector<128x128xf32>
    %sub3A_686 = vector.broadcast %mul3A_13 : vector<1x128xf32> to vector<128x128xf32>
    %sub3A_687 = arith.subf %mul3A_685, %sub3A_686 : vector<128x128xf32>
    %tanh3A_688 = math.tanh %sub3A_687 : vector<128x128xf32>
    %mul3A_689 = arith.constant 5.000000e-01 : f32
    %mul3A_690 = vector.broadcast %mul3A_689 : f32 to vector<128x128xf32>
    %mul3A_691 = arith.mulf %mul3A_690, %tanh3A_688 : vector<128x128xf32>
    %add3A_692 = arith.constant 5.000000e-01 : f32
    %add3A_693 = vector.broadcast %add3A_692 : f32 to vector<128x128xf32>
    %add3A_694 = arith.addf %mul3A_691, %add3A_693 : vector<128x128xf32>
    %swap3A_695 = arith.constant 5376 : index
    %swap3A_696 = arith.constant 0 : index
    %swap3A_697 = vector.load %arg5[%swap3A_695, %swap3A_696] : memref<8192x128xf32, #tpu.memory_space<vmem>>, vector<128x128xf32>
    tpu.vector_store %arg5[%swap3A_695, %swap3A_696], %add3A_694 {strides = array<i32>} : memref<8192x128xf32, #tpu.memory_space<vmem>>, vector<128x128xf32>,
    %slice3A_698 = vector.extract_strided_slice %transpose3A {offsets = [0, 43], sizes = [128, 1], strides = [1, 1]} : vector<128x64xf32> to vector<128x1xf32>
    %mul3A_699 = vector.broadcast %mul3A_9 : vector<1x128xf32> to vector<128x128xf32>
    %mul3A_700 = vector.broadcast %slice3A_698 : vector<128x1xf32> to vector<128x128xf32>
    %mul3A_701 = arith.mulf %mul3A_699, %mul3A_700 : vector<128x128xf32>
    %sub3A_702 = vector.broadcast %mul3A_13 : vector<1x128xf32> to vector<128x128xf32>
    %sub3A_703 = arith.subf %mul3A_701, %sub3A_702 : vector<128x128xf32>
    %tanh3A_704 = math.tanh %sub3A_703 : vector<128x128xf32>
    %mul3A_705 = arith.constant 5.000000e-01 : f32
    %mul3A_706 = vector.broadcast %mul3A_705 : f32 to vector<128x128xf32>
    %mul3A_707 = arith.mulf %mul3A_706, %tanh3A_704 : vector<128x128xf32>
    %add3A_708 = arith.constant 5.000000e-01 : f32
    %add3A_709 = vector.broadcast %add3A_708 : f32 to vector<128x128xf32>
    %add3A_710 = arith.addf %mul3A_707, %add3A_709 : vector<128x128xf32>
    %swap3A_711 = arith.constant 5504 : index
    %swap3A_712 = arith.constant 0 : index
    %swap3A_713 = vector.load %arg5[%swap3A_711, %swap3A_712] : memref<8192x128xf32, #tpu.memory_space<vmem>>, vector<128x128xf32>
    tpu.vector_store %arg5[%swap3A_711, %swap3A_712], %add3A_710 {strides = array<i32>} : memref<8192x128xf32, #tpu.memory_space<vmem>>, vector<128x128xf32>,
    %slice3A_714 = vector.extract_strided_slice %transpose3A {offsets = [0, 44], sizes = [128, 1], strides = [1, 1]} : vector<128x64xf32> to vector<128x1xf32>
    %mul3A_715 = vector.broadcast %mul3A_9 : vector<1x128xf32> to vector<128x128xf32>
    %mul3A_716 = vector.broadcast %slice3A_714 : vector<128x1xf32> to vector<128x128xf32>
    %mul3A_717 = arith.mulf %mul3A_715, %mul3A_716 : vector<128x128xf32>
    %sub3A_718 = vector.broadcast %mul3A_13 : vector<1x128xf32> to vector<128x128xf32>
    %sub3A_719 = arith.subf %mul3A_717, %sub3A_718 : vector<128x128xf32>
    %tanh3A_720 = math.tanh %sub3A_719 : vector<128x128xf32>
    %mul3A_721 = arith.constant 5.000000e-01 : f32
    %mul3A_722 = vector.broadcast %mul3A_721 : f32 to vector<128x128xf32>
    %mul3A_723 = arith.mulf %mul3A_722, %tanh3A_720 : vector<128x128xf32>
    %add3A_724 = arith.constant 5.000000e-01 : f32
    %add3A_725 = vector.broadcast %add3A_724 : f32 to vector<128x128xf32>
    %add3A_726 = arith.addf %mul3A_723, %add3A_725 : vector<128x128xf32>
    %swap3A_727 = arith.constant 5632 : index
    %swap3A_728 = arith.constant 0 : index
    %swap3A_729 = vector.load %arg5[%swap3A_727, %swap3A_728] : memref<8192x128xf32, #tpu.memory_space<vmem>>, vector<128x128xf32>
    tpu.vector_store %arg5[%swap3A_727, %swap3A_728], %add3A_726 {strides = array<i32>} : memref<8192x128xf32, #tpu.memory_space<vmem>>, vector<128x128xf32>,
    %slice3A_730 = vector.extract_strided_slice %transpose3A {offsets = [0, 45], sizes = [128, 1], strides = [1, 1]} : vector<128x64xf32> to vector<128x1xf32>
    %mul3A_731 = vector.broadcast %mul3A_9 : vector<1x128xf32> to vector<128x128xf32>
    %mul3A_732 = vector.broadcast %slice3A_730 : vector<128x1xf32> to vector<128x128xf32>
    %mul3A_733 = arith.mulf %mul3A_731, %mul3A_732 : vector<128x128xf32>
    %sub3A_734 = vector.broadcast %mul3A_13 : vector<1x128xf32> to vector<128x128xf32>
    %sub3A_735 = arith.subf %mul3A_733, %sub3A_734 : vector<128x128xf32>
    %tanh3A_736 = math.tanh %sub3A_735 : vector<128x128xf32>
    %mul3A_737 = arith.constant 5.000000e-01 : f32
    %mul3A_738 = vector.broadcast %mul3A_737 : f32 to vector<128x128xf32>
    %mul3A_739 = arith.mulf %mul3A_738, %tanh3A_736 : vector<128x128xf32>
    %add3A_740 = arith.constant 5.000000e-01 : f32
    %add3A_741 = vector.broadcast %add3A_740 : f32 to vector<128x128xf32>
    %add3A_742 = arith.addf %mul3A_739, %add3A_741 : vector<128x128xf32>
    %swap3A_743 = arith.constant 5760 : index
    %swap3A_744 = arith.constant 0 : index
    %swap3A_745 = vector.load %arg5[%swap3A_743, %swap3A_744] : memref<8192x128xf32, #tpu.memory_space<vmem>>, vector<128x128xf32>
    tpu.vector_store %arg5[%swap3A_743, %swap3A_744], %add3A_742 {strides = array<i32>} : memref<8192x128xf32, #tpu.memory_space<vmem>>, vector<128x128xf32>,
    %slice3A_746 = vector.extract_strided_slice %transpose3A {offsets = [0, 46], sizes = [128, 1], strides = [1, 1]} : vector<128x64xf32> to vector<128x1xf32>
    %mul3A_747 = vector.broadcast %mul3A_9 : vector<1x128xf32> to vector<128x128xf32>
    %mul3A_748 = vector.broadcast %slice3A_746 : vector<128x1xf32> to vector<128x128xf32>
    %mul3A_749 = arith.mulf %mul3A_747, %mul3A_748 : vector<128x128xf32>
    %sub3A_750 = vector.broadcast %mul3A_13 : vector<1x128xf32> to vector<128x128xf32>
    %sub3A_751 = arith.subf %mul3A_749, %sub3A_750 : vector<128x128xf32>
    %tanh3A_752 = math.tanh %sub3A_751 : vector<128x128xf32>
    %mul3A_753 = arith.constant 5.000000e-01 : f32
    %mul3A_754 = vector.broadcast %mul3A_753 : f32 to vector<128x128xf32>
    %mul3A_755 = arith.mulf %mul3A_754, %tanh3A_752 : vector<128x128xf32>
    %add3A_756 = arith.constant 5.000000e-01 : f32
    %add3A_757 = vector.broadcast %add3A_756 : f32 to vector<128x128xf32>
    %add3A_758 = arith.addf %mul3A_755, %add3A_757 : vector<128x128xf32>
    %swap3A_759 = arith.constant 5888 : index
    %swap3A_760 = arith.constant 0 : index
    %swap3A_761 = vector.load %arg5[%swap3A_759, %swap3A_760] : memref<8192x128xf32, #tpu.memory_space<vmem>>, vector<128x128xf32>
    tpu.vector_store %arg5[%swap3A_759, %swap3A_760], %add3A_758 {strides = array<i32>} : memref<8192x128xf32, #tpu.memory_space<vmem>>, vector<128x128xf32>,
    %slice3A_762 = vector.extract_strided_slice %transpose3A {offsets = [0, 47], sizes = [128, 1], strides = [1, 1]} : vector<128x64xf32> to vector<128x1xf32>
    %mul3A_763 = vector.broadcast %mul3A_9 : vector<1x128xf32> to vector<128x128xf32>
    %mul3A_764 = vector.broadcast %slice3A_762 : vector<128x1xf32> to vector<128x128xf32>
    %mul3A_765 = arith.mulf %mul3A_763, %mul3A_764 : vector<128x128xf32>
    %sub3A_766 = vector.broadcast %mul3A_13 : vector<1x128xf32> to vector<128x128xf32>
    %sub3A_767 = arith.subf %mul3A_765, %sub3A_766 : vector<128x128xf32>
    %tanh3A_768 = math.tanh %sub3A_767 : vector<128x128xf32>
    %mul3A_769 = arith.constant 5.000000e-01 : f32
    %mul3A_770 = vector.broadcast %mul3A_769 : f32 to vector<128x128xf32>
    %mul3A_771 = arith.mulf %mul3A_770, %tanh3A_768 : vector<128x128xf32>
    %add3A_772 = arith.constant 5.000000e-01 : f32
    %add3A_773 = vector.broadcast %add3A_772 : f32 to vector<128x128xf32>
    %add3A_774 = arith.addf %mul3A_771, %add3A_773 : vector<128x128xf32>
    %swap3A_775 = arith.constant 6016 : index
    %swap3A_776 = arith.constant 0 : index
    %swap3A_777 = vector.load %arg5[%swap3A_775, %swap3A_776] : memref<8192x128xf32, #tpu.memory_space<vmem>>, vector<128x128xf32>
    tpu.vector_store %arg5[%swap3A_775, %swap3A_776], %add3A_774 {strides = array<i32>} : memref<8192x128xf32, #tpu.memory_space<vmem>>, vector<128x128xf32>,
    %slice3A_778 = vector.extract_strided_slice %transpose3A {offsets = [0, 48], sizes = [128, 1], strides = [1, 1]} : vector<128x64xf32> to vector<128x1xf32>
    %mul3A_779 = vector.broadcast %mul3A_9 : vector<1x128xf32> to vector<128x128xf32>
    %mul3A_780 = vector.broadcast %slice3A_778 : vector<128x1xf32> to vector<128x128xf32>
    %mul3A_781 = arith.mulf %mul3A_779, %mul3A_780 : vector<128x128xf32>
    %sub3A_782 = vector.broadcast %mul3A_13 : vector<1x128xf32> to vector<128x128xf32>
    %sub3A_783 = arith.subf %mul3A_781, %sub3A_782 : vector<128x128xf32>
    %tanh3A_784 = math.tanh %sub3A_783 : vector<128x128xf32>
    %mul3A_785 = arith.constant 5.000000e-01 : f32
    %mul3A_786 = vector.broadcast %mul3A_785 : f32 to vector<128x128xf32>
    %mul3A_787 = arith.mulf %mul3A_786, %tanh3A_784 : vector<128x128xf32>
    %add3A_788 = arith.constant 5.000000e-01 : f32
    %add3A_789 = vector.broadcast %add3A_788 : f32 to vector<128x128xf32>
    %add3A_790 = arith.addf %mul3A_787, %add3A_789 : vector<128x128xf32>
    %swap3A_791 = arith.constant 6144 : index
    %swap3A_792 = arith.constant 0 : index
    %swap3A_793 = vector.load %arg5[%swap3A_791, %swap3A_792] : memref<8192x128xf32, #tpu.memory_space<vmem>>, vector<128x128xf32>
    tpu.vector_store %arg5[%swap3A_791, %swap3A_792], %add3A_790 {strides = array<i32>} : memref<8192x128xf32, #tpu.memory_space<vmem>>, vector<128x128xf32>,
    %slice3A_794 = vector.extract_strided_slice %transpose3A {offsets = [0, 49], sizes = [128, 1], strides = [1, 1]} : vector<128x64xf32> to vector<128x1xf32>
    %mul3A_795 = vector.broadcast %mul3A_9 : vector<1x128xf32> to vector<128x128xf32>
    %mul3A_796 = vector.broadcast %slice3A_794 : vector<128x1xf32> to vector<128x128xf32>
    %mul3A_797 = arith.mulf %mul3A_795, %mul3A_796 : vector<128x128xf32>
    %sub3A_798 = vector.broadcast %mul3A_13 : vector<1x128xf32> to vector<128x128xf32>
    %sub3A_799 = arith.subf %mul3A_797, %sub3A_798 : vector<128x128xf32>
    %tanh3A_800 = math.tanh %sub3A_799 : vector<128x128xf32>
    %mul3A_801 = arith.constant 5.000000e-01 : f32
    %mul3A_802 = vector.broadcast %mul3A_801 : f32 to vector<128x128xf32>
    %mul3A_803 = arith.mulf %mul3A_802, %tanh3A_800 : vector<128x128xf32>
    %add3A_804 = arith.constant 5.000000e-01 : f32
    %add3A_805 = vector.broadcast %add3A_804 : f32 to vector<128x128xf32>
    %add3A_806 = arith.addf %mul3A_803, %add3A_805 : vector<128x128xf32>
    %swap3A_807 = arith.constant 6272 : index
    %swap3A_808 = arith.constant 0 : index
    %swap3A_809 = vector.load %arg5[%swap3A_807, %swap3A_808] : memref<8192x128xf32, #tpu.memory_space<vmem>>, vector<128x128xf32>
    tpu.vector_store %arg5[%swap3A_807, %swap3A_808], %add3A_806 {strides = array<i32>} : memref<8192x128xf32, #tpu.memory_space<vmem>>, vector<128x128xf32>,
    %slice3A_810 = vector.extract_strided_slice %transpose3A {offsets = [0, 50], sizes = [128, 1], strides = [1, 1]} : vector<128x64xf32> to vector<128x1xf32>
    %mul3A_811 = vector.broadcast %mul3A_9 : vector<1x128xf32> to vector<128x128xf32>
    %mul3A_812 = vector.broadcast %slice3A_810 : vector<128x1xf32> to vector<128x128xf32>
    %mul3A_813 = arith.mulf %mul3A_811, %mul3A_812 : vector<128x128xf32>
    %sub3A_814 = vector.broadcast %mul3A_13 : vector<1x128xf32> to vector<128x128xf32>
    %sub3A_815 = arith.subf %mul3A_813, %sub3A_814 : vector<128x128xf32>
    %tanh3A_816 = math.tanh %sub3A_815 : vector<128x128xf32>
    %mul3A_817 = arith.constant 5.000000e-01 : f32
    %mul3A_818 = vector.broadcast %mul3A_817 : f32 to vector<128x128xf32>
    %mul3A_819 = arith.mulf %mul3A_818, %tanh3A_816 : vector<128x128xf32>
    %add3A_820 = arith.constant 5.000000e-01 : f32
    %add3A_821 = vector.broadcast %add3A_820 : f32 to vector<128x128xf32>
    %add3A_822 = arith.addf %mul3A_819, %add3A_821 : vector<128x128xf32>
    %swap3A_823 = arith.constant 6400 : index
    %swap3A_824 = arith.constant 0 : index
    %swap3A_825 = vector.load %arg5[%swap3A_823, %swap3A_824] : memref<8192x128xf32, #tpu.memory_space<vmem>>, vector<128x128xf32>
    tpu.vector_store %arg5[%swap3A_823, %swap3A_824], %add3A_822 {strides = array<i32>} : memref<8192x128xf32, #tpu.memory_space<vmem>>, vector<128x128xf32>,
    %slice3A_826 = vector.extract_strided_slice %transpose3A {offsets = [0, 51], sizes = [128, 1], strides = [1, 1]} : vector<128x64xf32> to vector<128x1xf32>
    %mul3A_827 = vector.broadcast %mul3A_9 : vector<1x128xf32> to vector<128x128xf32>
    %mul3A_828 = vector.broadcast %slice3A_826 : vector<128x1xf32> to vector<128x128xf32>
    %mul3A_829 = arith.mulf %mul3A_827, %mul3A_828 : vector<128x128xf32>
    %sub3A_830 = vector.broadcast %mul3A_13 : vector<1x128xf32> to vector<128x128xf32>
    %sub3A_831 = arith.subf %mul3A_829, %sub3A_830 : vector<128x128xf32>
    %tanh3A_832 = math.tanh %sub3A_831 : vector<128x128xf32>
    %mul3A_833 = arith.constant 5.000000e-01 : f32
    %mul3A_834 = vector.broadcast %mul3A_833 : f32 to vector<128x128xf32>
    %mul3A_835 = arith.mulf %mul3A_834, %tanh3A_832 : vector<128x128xf32>
    %add3A_836 = arith.constant 5.000000e-01 : f32
    %add3A_837 = vector.broadcast %add3A_836 : f32 to vector<128x128xf32>
    %add3A_838 = arith.addf %mul3A_835, %add3A_837 : vector<128x128xf32>
    %swap3A_839 = arith.constant 6528 : index
    %swap3A_840 = arith.constant 0 : index
    %swap3A_841 = vector.load %arg5[%swap3A_839, %swap3A_840] : memref<8192x128xf32, #tpu.memory_space<vmem>>, vector<128x128xf32>
    tpu.vector_store %arg5[%swap3A_839, %swap3A_840], %add3A_838 {strides = array<i32>} : memref<8192x128xf32, #tpu.memory_space<vmem>>, vector<128x128xf32>,
    %slice3A_842 = vector.extract_strided_slice %transpose3A {offsets = [0, 52], sizes = [128, 1], strides = [1, 1]} : vector<128x64xf32> to vector<128x1xf32>
    %mul3A_843 = vector.broadcast %mul3A_9 : vector<1x128xf32> to vector<128x128xf32>
    %mul3A_844 = vector.broadcast %slice3A_842 : vector<128x1xf32> to vector<128x128xf32>
    %mul3A_845 = arith.mulf %mul3A_843, %mul3A_844 : vector<128x128xf32>
    %sub3A_846 = vector.broadcast %mul3A_13 : vector<1x128xf32> to vector<128x128xf32>
    %sub3A_847 = arith.subf %mul3A_845, %sub3A_846 : vector<128x128xf32>
    %tanh3A_848 = math.tanh %sub3A_847 : vector<128x128xf32>
    %mul3A_849 = arith.constant 5.000000e-01 : f32
    %mul3A_850 = vector.broadcast %mul3A_849 : f32 to vector<128x128xf32>
    %mul3A_851 = arith.mulf %mul3A_850, %tanh3A_848 : vector<128x128xf32>
    %add3A_852 = arith.constant 5.000000e-01 : f32
    %add3A_853 = vector.broadcast %add3A_852 : f32 to vector<128x128xf32>
    %add3A_854 = arith.addf %mul3A_851, %add3A_853 : vector<128x128xf32>
    %swap3A_855 = arith.constant 6656 : index
    %swap3A_856 = arith.constant 0 : index
    %swap3A_857 = vector.load %arg5[%swap3A_855, %swap3A_856] : memref<8192x128xf32, #tpu.memory_space<vmem>>, vector<128x128xf32>
    tpu.vector_store %arg5[%swap3A_855, %swap3A_856], %add3A_854 {strides = array<i32>} : memref<8192x128xf32, #tpu.memory_space<vmem>>, vector<128x128xf32>,
    %slice3A_858 = vector.extract_strided_slice %transpose3A {offsets = [0, 53], sizes = [128, 1], strides = [1, 1]} : vector<128x64xf32> to vector<128x1xf32>
    %mul3A_859 = vector.broadcast %mul3A_9 : vector<1x128xf32> to vector<128x128xf32>
    %mul3A_860 = vector.broadcast %slice3A_858 : vector<128x1xf32> to vector<128x128xf32>
    %mul3A_861 = arith.mulf %mul3A_859, %mul3A_860 : vector<128x128xf32>
    %sub3A_862 = vector.broadcast %mul3A_13 : vector<1x128xf32> to vector<128x128xf32>
    %sub3A_863 = arith.subf %mul3A_861, %sub3A_862 : vector<128x128xf32>
    %tanh3A_864 = math.tanh %sub3A_863 : vector<128x128xf32>
    %mul3A_865 = arith.constant 5.000000e-01 : f32
    %mul3A_866 = vector.broadcast %mul3A_865 : f32 to vector<128x128xf32>
    %mul3A_867 = arith.mulf %mul3A_866, %tanh3A_864 : vector<128x128xf32>
    %add3A_868 = arith.constant 5.000000e-01 : f32
    %add3A_869 = vector.broadcast %add3A_868 : f32 to vector<128x128xf32>
    %add3A_870 = arith.addf %mul3A_867, %add3A_869 : vector<128x128xf32>
    %swap3A_871 = arith.constant 6784 : index
    %swap3A_872 = arith.constant 0 : index
    %swap3A_873 = vector.load %arg5[%swap3A_871, %swap3A_872] : memref<8192x128xf32, #tpu.memory_space<vmem>>, vector<128x128xf32>
    tpu.vector_store %arg5[%swap3A_871, %swap3A_872], %add3A_870 {strides = array<i32>} : memref<8192x128xf32, #tpu.memory_space<vmem>>, vector<128x128xf32>,
    %slice3A_874 = vector.extract_strided_slice %transpose3A {offsets = [0, 54], sizes = [128, 1], strides = [1, 1]} : vector<128x64xf32> to vector<128x1xf32>
    %mul3A_875 = vector.broadcast %mul3A_9 : vector<1x128xf32> to vector<128x128xf32>
    %mul3A_876 = vector.broadcast %slice3A_874 : vector<128x1xf32> to vector<128x128xf32>
    %mul3A_877 = arith.mulf %mul3A_875, %mul3A_876 : vector<128x128xf32>
    %sub3A_878 = vector.broadcast %mul3A_13 : vector<1x128xf32> to vector<128x128xf32>
    %sub3A_879 = arith.subf %mul3A_877, %sub3A_878 : vector<128x128xf32>
    %tanh3A_880 = math.tanh %sub3A_879 : vector<128x128xf32>
    %mul3A_881 = arith.constant 5.000000e-01 : f32
    %mul3A_882 = vector.broadcast %mul3A_881 : f32 to vector<128x128xf32>
    %mul3A_883 = arith.mulf %mul3A_882, %tanh3A_880 : vector<128x128xf32>
    %add3A_884 = arith.constant 5.000000e-01 : f32
    %add3A_885 = vector.broadcast %add3A_884 : f32 to vector<128x128xf32>
    %add3A_886 = arith.addf %mul3A_883, %add3A_885 : vector<128x128xf32>
    %swap3A_887 = arith.constant 6912 : index
    %swap3A_888 = arith.constant 0 : index
    %swap3A_889 = vector.load %arg5[%swap3A_887, %swap3A_888] : memref<8192x128xf32, #tpu.memory_space<vmem>>, vector<128x128xf32>
    tpu.vector_store %arg5[%swap3A_887, %swap3A_888], %add3A_886 {strides = array<i32>} : memref<8192x128xf32, #tpu.memory_space<vmem>>, vector<128x128xf32>,
    %slice3A_890 = vector.extract_strided_slice %transpose3A {offsets = [0, 55], sizes = [128, 1], strides = [1, 1]} : vector<128x64xf32> to vector<128x1xf32>
    %mul3A_891 = vector.broadcast %mul3A_9 : vector<1x128xf32> to vector<128x128xf32>
    %mul3A_892 = vector.broadcast %slice3A_890 : vector<128x1xf32> to vector<128x128xf32>
    %mul3A_893 = arith.mulf %mul3A_891, %mul3A_892 : vector<128x128xf32>
    %sub3A_894 = vector.broadcast %mul3A_13 : vector<1x128xf32> to vector<128x128xf32>
    %sub3A_895 = arith.subf %mul3A_893, %sub3A_894 : vector<128x128xf32>
    %tanh3A_896 = math.tanh %sub3A_895 : vector<128x128xf32>
    %mul3A_897 = arith.constant 5.000000e-01 : f32
    %mul3A_898 = vector.broadcast %mul3A_897 : f32 to vector<128x128xf32>
    %mul3A_899 = arith.mulf %mul3A_898, %tanh3A_896 : vector<128x128xf32>
    %add3A_900 = arith.constant 5.000000e-01 : f32
    %add3A_901 = vector.broadcast %add3A_900 : f32 to vector<128x128xf32>
    %add3A_902 = arith.addf %mul3A_899, %add3A_901 : vector<128x128xf32>
    %swap3A_903 = arith.constant 7040 : index
    %swap3A_904 = arith.constant 0 : index
    %swap3A_905 = vector.load %arg5[%swap3A_903, %swap3A_904] : memref<8192x128xf32, #tpu.memory_space<vmem>>, vector<128x128xf32>
    tpu.vector_store %arg5[%swap3A_903, %swap3A_904], %add3A_902 {strides = array<i32>} : memref<8192x128xf32, #tpu.memory_space<vmem>>, vector<128x128xf32>,
    %slice3A_906 = vector.extract_strided_slice %transpose3A {offsets = [0, 56], sizes = [128, 1], strides = [1, 1]} : vector<128x64xf32> to vector<128x1xf32>
    %mul3A_907 = vector.broadcast %mul3A_9 : vector<1x128xf32> to vector<128x128xf32>
    %mul3A_908 = vector.broadcast %slice3A_906 : vector<128x1xf32> to vector<128x128xf32>
    %mul3A_909 = arith.mulf %mul3A_907, %mul3A_908 : vector<128x128xf32>
    %sub3A_910 = vector.broadcast %mul3A_13 : vector<1x128xf32> to vector<128x128xf32>
    %sub3A_911 = arith.subf %mul3A_909, %sub3A_910 : vector<128x128xf32>
    %tanh3A_912 = math.tanh %sub3A_911 : vector<128x128xf32>
    %mul3A_913 = arith.constant 5.000000e-01 : f32
    %mul3A_914 = vector.broadcast %mul3A_913 : f32 to vector<128x128xf32>
    %mul3A_915 = arith.mulf %mul3A_914, %tanh3A_912 : vector<128x128xf32>
    %add3A_916 = arith.constant 5.000000e-01 : f32
    %add3A_917 = vector.broadcast %add3A_916 : f32 to vector<128x128xf32>
    %add3A_918 = arith.addf %mul3A_915, %add3A_917 : vector<128x128xf32>
    %swap3A_919 = arith.constant 7168 : index
    %swap3A_920 = arith.constant 0 : index
    %swap3A_921 = vector.load %arg5[%swap3A_919, %swap3A_920] : memref<8192x128xf32, #tpu.memory_space<vmem>>, vector<128x128xf32>
    tpu.vector_store %arg5[%swap3A_919, %swap3A_920], %add3A_918 {strides = array<i32>} : memref<8192x128xf32, #tpu.memory_space<vmem>>, vector<128x128xf32>,
    %slice3A_922 = vector.extract_strided_slice %transpose3A {offsets = [0, 57], sizes = [128, 1], strides = [1, 1]} : vector<128x64xf32> to vector<128x1xf32>
    %mul3A_923 = vector.broadcast %mul3A_9 : vector<1x128xf32> to vector<128x128xf32>
    %mul3A_924 = vector.broadcast %slice3A_922 : vector<128x1xf32> to vector<128x128xf32>
    %mul3A_925 = arith.mulf %mul3A_923, %mul3A_924 : vector<128x128xf32>
    %sub3A_926 = vector.broadcast %mul3A_13 : vector<1x128xf32> to vector<128x128xf32>
    %sub3A_927 = arith.subf %mul3A_925, %sub3A_926 : vector<128x128xf32>
    %tanh3A_928 = math.tanh %sub3A_927 : vector<128x128xf32>
    %mul3A_929 = arith.constant 5.000000e-01 : f32
    %mul3A_930 = vector.broadcast %mul3A_929 : f32 to vector<128x128xf32>
    %mul3A_931 = arith.mulf %mul3A_930, %tanh3A_928 : vector<128x128xf32>
    %add3A_932 = arith.constant 5.000000e-01 : f32
    %add3A_933 = vector.broadcast %add3A_932 : f32 to vector<128x128xf32>
    %add3A_934 = arith.addf %mul3A_931, %add3A_933 : vector<128x128xf32>
    %swap3A_935 = arith.constant 7296 : index
    %swap3A_936 = arith.constant 0 : index
    %swap3A_937 = vector.load %arg5[%swap3A_935, %swap3A_936] : memref<8192x128xf32, #tpu.memory_space<vmem>>, vector<128x128xf32>
    tpu.vector_store %arg5[%swap3A_935, %swap3A_936], %add3A_934 {strides = array<i32>} : memref<8192x128xf32, #tpu.memory_space<vmem>>, vector<128x128xf32>,
    %slice3A_938 = vector.extract_strided_slice %transpose3A {offsets = [0, 58], sizes = [128, 1], strides = [1, 1]} : vector<128x64xf32> to vector<128x1xf32>
    %mul3A_939 = vector.broadcast %mul3A_9 : vector<1x128xf32> to vector<128x128xf32>
    %mul3A_940 = vector.broadcast %slice3A_938 : vector<128x1xf32> to vector<128x128xf32>
    %mul3A_941 = arith.mulf %mul3A_939, %mul3A_940 : vector<128x128xf32>
    %sub3A_942 = vector.broadcast %mul3A_13 : vector<1x128xf32> to vector<128x128xf32>
    %sub3A_943 = arith.subf %mul3A_941, %sub3A_942 : vector<128x128xf32>
    %tanh3A_944 = math.tanh %sub3A_943 : vector<128x128xf32>
    %mul3A_945 = arith.constant 5.000000e-01 : f32
    %mul3A_946 = vector.broadcast %mul3A_945 : f32 to vector<128x128xf32>
    %mul3A_947 = arith.mulf %mul3A_946, %tanh3A_944 : vector<128x128xf32>
    %add3A_948 = arith.constant 5.000000e-01 : f32
    %add3A_949 = vector.broadcast %add3A_948 : f32 to vector<128x128xf32>
    %add3A_950 = arith.addf %mul3A_947, %add3A_949 : vector<128x128xf32>
    %swap3A_951 = arith.constant 7424 : index
    %swap3A_952 = arith.constant 0 : index
    %swap3A_953 = vector.load %arg5[%swap3A_951, %swap3A_952] : memref<8192x128xf32, #tpu.memory_space<vmem>>, vector<128x128xf32>
    tpu.vector_store %arg5[%swap3A_951, %swap3A_952], %add3A_950 {strides = array<i32>} : memref<8192x128xf32, #tpu.memory_space<vmem>>, vector<128x128xf32>,
    %slice3A_954 = vector.extract_strided_slice %transpose3A {offsets = [0, 59], sizes = [128, 1], strides = [1, 1]} : vector<128x64xf32> to vector<128x1xf32>
    %mul3A_955 = vector.broadcast %mul3A_9 : vector<1x128xf32> to vector<128x128xf32>
    %mul3A_956 = vector.broadcast %slice3A_954 : vector<128x1xf32> to vector<128x128xf32>
    %mul3A_957 = arith.mulf %mul3A_955, %mul3A_956 : vector<128x128xf32>
    %sub3A_958 = vector.broadcast %mul3A_13 : vector<1x128xf32> to vector<128x128xf32>
    %sub3A_959 = arith.subf %mul3A_957, %sub3A_958 : vector<128x128xf32>
    %tanh3A_960 = math.tanh %sub3A_959 : vector<128x128xf32>
    %mul3A_961 = arith.constant 5.000000e-01 : f32
    %mul3A_962 = vector.broadcast %mul3A_961 : f32 to vector<128x128xf32>
    %mul3A_963 = arith.mulf %mul3A_962, %tanh3A_960 : vector<128x128xf32>
    %add3A_964 = arith.constant 5.000000e-01 : f32
    %add3A_965 = vector.broadcast %add3A_964 : f32 to vector<128x128xf32>
    %add3A_966 = arith.addf %mul3A_963, %add3A_965 : vector<128x128xf32>
    %swap3A_967 = arith.constant 7552 : index
    %swap3A_968 = arith.constant 0 : index
    %swap3A_969 = vector.load %arg5[%swap3A_967, %swap3A_968] : memref<8192x128xf32, #tpu.memory_space<vmem>>, vector<128x128xf32>
    tpu.vector_store %arg5[%swap3A_967, %swap3A_968], %add3A_966 {strides = array<i32>} : memref<8192x128xf32, #tpu.memory_space<vmem>>, vector<128x128xf32>,
    %slice3A_970 = vector.extract_strided_slice %transpose3A {offsets = [0, 60], sizes = [128, 1], strides = [1, 1]} : vector<128x64xf32> to vector<128x1xf32>
    %mul3A_971 = vector.broadcast %mul3A_9 : vector<1x128xf32> to vector<128x128xf32>
    %mul3A_972 = vector.broadcast %slice3A_970 : vector<128x1xf32> to vector<128x128xf32>
    %mul3A_973 = arith.mulf %mul3A_971, %mul3A_972 : vector<128x128xf32>
    %sub3A_974 = vector.broadcast %mul3A_13 : vector<1x128xf32> to vector<128x128xf32>
    %sub3A_975 = arith.subf %mul3A_973, %sub3A_974 : vector<128x128xf32>
    %tanh3A_976 = math.tanh %sub3A_975 : vector<128x128xf32>
    %mul3A_977 = arith.constant 5.000000e-01 : f32
    %mul3A_978 = vector.broadcast %mul3A_977 : f32 to vector<128x128xf32>
    %mul3A_979 = arith.mulf %mul3A_978, %tanh3A_976 : vector<128x128xf32>
    %add3A_980 = arith.constant 5.000000e-01 : f32
    %add3A_981 = vector.broadcast %add3A_980 : f32 to vector<128x128xf32>
    %add3A_982 = arith.addf %mul3A_979, %add3A_981 : vector<128x128xf32>
    %swap3A_983 = arith.constant 7680 : index
    %swap3A_984 = arith.constant 0 : index
    %swap3A_985 = vector.load %arg5[%swap3A_983, %swap3A_984] : memref<8192x128xf32, #tpu.memory_space<vmem>>, vector<128x128xf32>
    tpu.vector_store %arg5[%swap3A_983, %swap3A_984], %add3A_982 {strides = array<i32>} : memref<8192x128xf32, #tpu.memory_space<vmem>>, vector<128x128xf32>,
    %slice3A_986 = vector.extract_strided_slice %transpose3A {offsets = [0, 61], sizes = [128, 1], strides = [1, 1]} : vector<128x64xf32> to vector<128x1xf32>
    %mul3A_987 = vector.broadcast %mul3A_9 : vector<1x128xf32> to vector<128x128xf32>
    %mul3A_988 = vector.broadcast %slice3A_986 : vector<128x1xf32> to vector<128x128xf32>
    %mul3A_989 = arith.mulf %mul3A_987, %mul3A_988 : vector<128x128xf32>
    %sub3A_990 = vector.broadcast %mul3A_13 : vector<1x128xf32> to vector<128x128xf32>
    %sub3A_991 = arith.subf %mul3A_989, %sub3A_990 : vector<128x128xf32>
    %tanh3A_992 = math.tanh %sub3A_991 : vector<128x128xf32>
    %mul3A_993 = arith.constant 5.000000e-01 : f32
    %mul3A_994 = vector.broadcast %mul3A_993 : f32 to vector<128x128xf32>
    %mul3A_995 = arith.mulf %mul3A_994, %tanh3A_992 : vector<128x128xf32>
    %add3A_996 = arith.constant 5.000000e-01 : f32
    %add3A_997 = vector.broadcast %add3A_996 : f32 to vector<128x128xf32>
    %add3A_998 = arith.addf %mul3A_995, %add3A_997 : vector<128x128xf32>
    %swap3A_999 = arith.constant 7808 : index
    %swap3A_1000 = arith.constant 0 : index
    %swap3A_1001 = vector.load %arg5[%swap3A_999, %swap3A_1000] : memref<8192x128xf32, #tpu.memory_space<vmem>>, vector<128x128xf32>
    tpu.vector_store %arg5[%swap3A_999, %swap3A_1000], %add3A_998 {strides = array<i32>} : memref<8192x128xf32, #tpu.memory_space<vmem>>, vector<128x128xf32>,
    %slice3A_1002 = vector.extract_strided_slice %transpose3A {offsets = [0, 62], sizes = [128, 1], strides = [1, 1]} : vector<128x64xf32> to vector<128x1xf32>
    %mul3A_1003 = vector.broadcast %mul3A_9 : vector<1x128xf32> to vector<128x128xf32>
    %mul3A_1004 = vector.broadcast %slice3A_1002 : vector<128x1xf32> to vector<128x128xf32>
    %mul3A_1005 = arith.mulf %mul3A_1003, %mul3A_1004 : vector<128x128xf32>
    %sub3A_1006 = vector.broadcast %mul3A_13 : vector<1x128xf32> to vector<128x128xf32>
    %sub3A_1007 = arith.subf %mul3A_1005, %sub3A_1006 : vector<128x128xf32>
    %tanh3A_1008 = math.tanh %sub3A_1007 : vector<128x128xf32>
    %mul3A_1009 = arith.constant 5.000000e-01 : f32
    %mul3A_1010 = vector.broadcast %mul3A_1009 : f32 to vector<128x128xf32>
    %mul3A_1011 = arith.mulf %mul3A_1010, %tanh3A_1008 : vector<128x128xf32>
    %add3A_1012 = arith.constant 5.000000e-01 : f32
    %add3A_1013 = vector.broadcast %add3A_1012 : f32 to vector<128x128xf32>
    %add3A_1014 = arith.addf %mul3A_1011, %add3A_1013 : vector<128x128xf32>
    %swap3A_1015 = arith.constant 7936 : index
    %swap3A_1016 = arith.constant 0 : index
    %swap3A_1017 = vector.load %arg5[%swap3A_1015, %swap3A_1016] : memref<8192x128xf32, #tpu.memory_space<vmem>>, vector<128x128xf32>
    tpu.vector_store %arg5[%swap3A_1015, %swap3A_1016], %add3A_1014 {strides = array<i32>} : memref<8192x128xf32, #tpu.memory_space<vmem>>, vector<128x128xf32>,
    %slice3A_1018 = vector.extract_strided_slice %transpose3A {offsets = [0, 63], sizes = [128, 1], strides = [1, 1]} : vector<128x64xf32> to vector<128x1xf32>
    %mul3A_1019 = vector.broadcast %mul3A_9 : vector<1x128xf32> to vector<128x128xf32>
    %mul3A_1020 = vector.broadcast %slice3A_1018 : vector<128x1xf32> to vector<128x128xf32>
    %mul3A_1021 = arith.mulf %mul3A_1019, %mul3A_1020 : vector<128x128xf32>
    %sub3A_1022 = vector.broadcast %mul3A_13 : vector<1x128xf32> to vector<128x128xf32>
    %sub3A_1023 = arith.subf %mul3A_1021, %sub3A_1022 : vector<128x128xf32>
    %tanh3A_1024 = math.tanh %sub3A_1023 : vector<128x128xf32>
    %mul3A_1025 = arith.constant 5.000000e-01 : f32
    %mul3A_1026 = vector.broadcast %mul3A_1025 : f32 to vector<128x128xf32>
    %mul3A_1027 = arith.mulf %mul3A_1026, %tanh3A_1024 : vector<128x128xf32>
    %add3A_1028 = arith.constant 5.000000e-01 : f32
    %add3A_1029 = vector.broadcast %add3A_1028 : f32 to vector<128x128xf32>
    %add3A_1030 = arith.addf %mul3A_1027, %add3A_1029 : vector<128x128xf32>
    %swap3A_1031 = arith.constant 8064 : index
    %swap3A_1032 = arith.constant 0 : index
    %swap3A_1033 = vector.load %arg5[%swap3A_1031, %swap3A_1032] : memref<8192x128xf32, #tpu.memory_space<vmem>>, vector<128x128xf32>
    tpu.vector_store %arg5[%swap3A_1031, %swap3A_1032], %add3A_1030 {strides = array<i32>} : memref<8192x128xf32, #tpu.memory_space<vmem>>, vector<128x128xf32>,
    return
  }
  func.func @transform_0(%arg0: i32) -> (i32, i32) {
    %c0_i32 = arith.constant 0 : i32
    %c0_i32_0 = arith.constant 0 : i32
    return %arg0, %c0_i32 : i32, i32
  }
  func.func @transform_1(%arg0: i32) -> (i32, i32) {
    %c0_i32 = arith.constant 0 : i32
    %c0_i32_0 = arith.constant 0 : i32
    return %arg0, %c0_i32 : i32, i32
  }
  func.func @transform_2(%arg0: i32) -> (i32, i32) {
    %c0_i32 = arith.constant 0 : i32
    %c0_i32_0 = arith.constant 0 : i32
    %c0_i32_1 = arith.constant 0 : i32
    return %c0_i32, %c0_i32_0 : i32, i32
  }
  func.func @transform_3(%arg0: i32) -> (i32, i32) {
    %c0_i32 = arith.constant 0 : i32
    %c0_i32_0 = arith.constant 0 : i32
    %c0_i32_1 = arith.constant 0 : i32
    return %c0_i32, %c0_i32_0 : i32, i32
  }
  func.func @transform_4(%arg0: i32) -> (i32, i32) {
    %c0_i32 = arith.constant 0 : i32
    %c0_i32_0 = arith.constant 0 : i32
    return %arg0, %c0_i32 : i32, i32
  }
}

</mosaic_0001>

<sc_bundles>
// kernel: kernel.4.cloned.1.call-start
scs
__scs_entry_jumppad:
0x0: {  	(pc) =	sbr.rel $0x88, $3  }
0x1: {  	(tag) =	ssettag $0x0;
	lr =	simm.s32 $0x1  }
0x2: {  	[smem:$0x3F9C] =	sst lr;
	_ =	strace $0xD0000000  }
0x3: {  	_ = 	snop  }
0x4: {  	_ = 	snop  }
0x5: {  	_ = 	snop  }
0x6: {  	_ = 	snop  }
0x7: {  	_ = 	snop  }
__scs_overlays_trampoline_lowered:
0x8: {  	[smem:$0x3FAB] =	sst s0  }
0x9: {  	[smem:$0x3FAC] =	sst s1  }
0xa: {  	[smem:$0x3FAD] =	sst s2  }
0xb: {  	[smem:$0x3FAE] =	sst s3  }
0xc: {  	[smem:$0x3FAF] =	sst s4  }
0xd: {  	[smem:$0x3FB0] =	sst s5  }
0xe: {  	[smem:$0x3FB1] =	sst s6  }
0xf: {  	[smem:$0x3FB2] =	sst s7  }
0x10: {  	[smem:$0x3FB3] =	sst s8  }
0x11: {  	[smem:$0x3FB4] =	sst s9;
	s0 =	simm.s32 @!p0 $0x0  }
0x12: {  	s1 =	sld [smem:$0x3F9A];
	s0 =	simm.s32 @p0 $0x1  }
0x13: {  	[smem:$0x3FB5] =	sst s0;
	s0 =	simm.s32 @!p1 $0x0  }
0x14: {  	s2 =	sld [smem:$0x3F99];
	s0 =	simm.s32 @p1 $0x1  }
0x15: {  	[smem:$0x3FB6] =	sst s0;
	s0 =	simm.s32 @!p2 $0x0  }
0x16: {  	s3 =	sld [smem:$0x3FDB];
	s0 =	simm.s32 @p2 $0x1  }
0x17: {  	s4 =	simm.s32 $0x1BF5;
	[smem:$0x3FB8] =	sst s0  }
0x18: {  	s0 =	sld [smem:$0x3F9B];
	_ =	swait.ge [sflag:s4], $0x0  }
0x19: {  	s7 =	sld [smem:$0x3F9C]  }
0x1a: {  	s8 =	sadd.s32 $0xFFFFE003, lr  }
0x1b: {  	s9 =	sadd.s32 $0xFFFFFEF7, lr;
	s5 =	simm.s32 $0xFFFFFFFF;
	p2 =	slt.u32 s8, $0xFFFFF086  }
0x1c: {  	p1 =	slt.u32 s9, $0xF7A;
	s5 =	simm.s32 @!p2 $0x0  }
0x1d: {  	s5 =	simm.s32 @p1 $0x1;
	p0 =	seq.s32 s7, s2  }
0x1e: {  	s7 =	smul.u32 @!p0 $0xF7A, s2;
	p2 =	seq.s32 @!p0 s5, $0x0  }
0x1f: {  	s9 =	smul.u32 $0xF7A, s1;
	s8 =	simm.s32 @!p0 $0x1BF5;
	p2 =	por !p2, p0  }
0x20: {  	[sflag:s8] =	ssyncset.s32 @!p0 $0xFFFFF086;
	s6 =	sadd.s32 @!p0 s3, s7;
	s7 =	simm.s32 @!p0 $0x108  }
0x21: {  	s3 =	sadd.s32 s3, s9;
	s6 =	sadd.s32 @!p0 $0x88, s6;
	s7 =	simm.s32 @p2 $0x1082  }
0x22: {  	[simem:s7], [sflag:s8] =	dma.local @!p0 [hbm:s6], $0xF7A  }
0x23: {  	s9 =	sor.u32 $0xD0000000, s2;
	s6 =	simm.s32 $0x108;
	_ =	swait.ge @!p0 [sflag:s8], $0x0  }
0x24: {  	s3 =	sadd.s32 $0x88, s3;
	s6 =	simm.s32 @!p1 $0x1082;
	[sflag:s4] =	ssyncset.s32 $0xFFFFF086  }
0x25: {  	[simem:s6], [sflag:s4] =	dma.local [hbm:s3], $0xF7A  }
0x26: {  	[smem:$0x3F9C] =	sst s1;
	(tag) =	ssettag s2;
	_ =	strace s9  }
0x27: {  	s1 =	sld [smem:$0x3FAC]  }
0x28: {  	s2 =	sld [smem:$0x3FAD]  }
0x29: {  	s4 =	sld [smem:$0x3FAF]  }
0x2a: {  	p0 =	seq.s32 s5, $0x0;
	s5 =	sld [smem:$0x3FB0]  }
0x2b: {  	s6 =	sld [smem:$0x3FB1]  }
0x2c: {  	s7 =	sld [smem:$0x3FB2]  }
0x2d: {  	s3 =	simm.s32 $0x108;
	s8 =	sld [smem:$0x3FB3]  }
0x2e: {  	s3 =	simm.s32 @!p0 $0x1082;
	s9 =	sld [smem:$0x3FB4]  }
0x2f: {  	lr =	sadd.s32 s0, s3;
	s0 =	sld [smem:$0x3FAB]  }
0x30: {  	s3 =	sld [smem:$0x3FAE]  }
0x31: {  	[smem:$0x3FB7] =	sst s10  }
0x32: {  	s10 =	sld [smem:$0x3FB5];
	_ =	sdelay $0x3  }
0x33: {  	p0 =	seq.s32 s10, $0x1;
	s10 =	sld [smem:$0x3FB7];
	_ =	sdelay $0x3  }
0x34: {  	[smem:$0x3FB7] =	sst s10  }
0x35: {  	s10 =	sld [smem:$0x3FB6];
	_ =	sdelay $0x3  }
0x36: {  	p1 =	seq.s32 s10, $0x1;
	s10 =	sld [smem:$0x3FB7];
	_ =	sdelay $0x3  }
0x37: {  	[smem:$0x3FB7] =	sst s10  }
0x38: {  	s10 =	sld [smem:$0x3FB8]  }
0x39: {  	_ = 	snop;
	(pc) =	sbr.ind lr, $3  }
0x3a: {  	_ = 	snop  }
0x3b: {  	_ = 	snop  }
0x3c: {  	p2 =	seq.s32 s10, $0x1;
	s10 =	sld [smem:$0x3FB7]  }
0x3d: {  	_ =	shalt  }
0x3e: {  	_ =	shalt  }
0x3f: {  	_ =	shalt  }
0x40: {  	_ =	shalt  }
0x41: {  	_ =	shalt  }
0x42: {  	_ =	shalt  }
0x43: {  	_ =	shalt  }
0x44: {  	_ =	shalt  }
0x45: {  	_ =	shalt  }
0x46: {  	_ =	shalt  }
0x47: {  	_ =	shalt  }
0x48: {  	_ =	shalt  }
0x49: {  	_ =	shalt  }
0x4a: {  	_ =	shalt  }
0x4b: {  	_ =	shalt  }
0x4c: {  	_ =	shalt  }
0x4d: {  	_ =	shalt  }
0x4e: {  	_ =	shalt  }
0x4f: {  	_ =	shalt  }
0x50: {  	_ =	shalt  }
0x51: {  	_ =	shalt  }
0x52: {  	_ =	shalt  }
0x53: {  	_ =	shalt  }
0x54: {  	_ =	shalt  }
0x55: {  	_ =	shalt  }
0x56: {  	_ =	shalt  }
0x57: {  	_ =	shalt  }
0x58: {  	_ =	shalt  }
0x59: {  	_ =	shalt  }
0x5a: {  	_ =	shalt  }
0x5b: {  	_ =	shalt  }
0x5c: {  	_ =	shalt  }
0x5d: {  	_ =	shalt  }
0x5e: {  	_ =	shalt  }
0x5f: {  	_ =	shalt  }
0x60: {  	_ =	shalt  }
0x61: {  	_ =	shalt  }
0x62: {  	_ =	shalt  }
0x63: {  	_ =	shalt  }
0x64: {  	_ =	shalt  }
0x65: {  	_ =	shalt  }
0x66: {  	_ =	shalt  }
0x67: {  	_ =	shalt  }
0x68: {  	_ =	shalt  }
0x69: {  	_ =	shalt  }
0x6a: {  	_ =	shalt  }
0x6b: {  	_ =	shalt  }
0x6c: {  	_ =	shalt  }
0x6d: {  	_ =	shalt  }
0x6e: {  	_ =	shalt  }
0x6f: {  	_ =	shalt  }
0x70: {  	_ =	shalt  }
0x71: {  	_ =	shalt  }
0x72: {  	_ =	shalt  }
0x73: {  	_ =	shalt  }
0x74: {  	_ =	shalt  }
0x75: {  	_ =	shalt  }
0x76: {  	_ =	shalt  }
0x77: {  	_ =	shalt  }
0x78: {  	_ =	shalt  }
0x79: {  	_ =	shalt  }
0x7a: {  	_ =	shalt  }
0x7b: {  	_ =	shalt  }
0x7c: {  	_ =	shalt  }
0x7d: {  	_ =	shalt  }
0x7e: {  	_ =	shalt  }
0x7f: {  	_ =	shalt  }
0x80: {  	_ =	shalt  }
0x81: {  	_ =	shalt  }
0x82: {  	_ =	shalt  }
0x83: {  	_ =	shalt  }
0x84: {  	_ =	shalt  }
0x85: {  	_ =	shalt  }
0x86: {  	_ =	shalt  }
0x87: {  	_ =	shalt  }
.Lfunc_end0:
.L_simem_size_0:
called_computation_lowered:
.L_overlay_start_0:
0x88: {  	s2 =	sld [smem:$0x3FD9]  }
0x89: {  	s3 =	sld [smem:$0x3FFE];
	_ =	sdelay $0x1  }
0x8a: {  	s1 =	srdreg.scid  }
0x8b: {  	s0 =	sand.u32 $0x1, s1  }
0x8c: {  	s18 =	sshll.u32 s0, $0xA;
	s2 =	sadd.s32 s3, s2  }
0x8d: {  	s2 =	sadd.s32 s2, s18  }
0x8e: {  	[smem:$0x3FC3] =	sst s2  }
0x8f: {  	_ = 	snop  }
0x90: {  	s2 =	sld [smem:$0x3FC8]  }
0x91: {  	s19 =	sld [smem:$0x3FC5]  }
0x92: {  	s4 =	sld [smem:$0x3FD0];
	(tm) =	ssettm $0x1  }
0x93: {  	s5 =	sld [smem:$0x3FFB];
	_ =	sdelay $0x3  }
0x94: {  	_ =	strace s5  }
0x95: {  	s5 =	sld [smem:$0x3FFC];
	_ =	sdelay $0x3  }
0x96: {  	_ =	strace s5  }
0x97: {  	s5 =	sld [smem:$0x3FFD];
	_ =	sdelay $0x3  }
0x98: {  	_ =	strace s5  }
0x99: {  	_ =	strace $0x8FFFFFFF  }
0x9a: {  	s20 =	sld [smem:$0x3FDB];
	_ =	sdelay $0x1  }
0x9b: {  	s6 =	simm.s32 $_scs_section_size  }
0x9c: {  	s7 =	simm.s32 $_size__tile_overlayer_lowered;
	s8 =	simm.s32 $_tile_overlayer_lowered  }
0x9d: {  	s23 =	simm.s32 $0x1BFF;
	s22 =	sshll.u32 s8, $0x1;
	s5 =	sadd.s32 s6, s20  }
0x9e: {  	s9 =	simm.s32 $0x0;
	s21 =	sshll.u32 s7, $0x1;
	s7 =	sadd.s32 s22, s5  }
0x9f: {  	[timem:s9], [sflag:s23] =	dma.local [hbm:s7], s21  }
0xa0: {  	_ =	swait.ge [sflag:s23], s21  }
0xa1: {  	s6 =	ssub.s32 $0x0, s21;
	[sflag:s23] =	ssyncset.done $0x0  }
0xa2: {  	[sflag:s23] =	ssyncadd.s32 s6;
	_ =	sdelay $0x1  }
0xa3: {  	s24 =	simm.s32 $0x1B8B  }
0xa4: {  	_ =	swait.ge [sflag:s24], $0x1  }
0xa5: {  	[sflag:s24] =	ssyncset.done $0x0  }
0xa6: {  	s25 =	simm.s32 $0x1B8E;
	[sflag:s24] =	ssyncadd.s32 $0xFFFFFFFF  }
0xa7: {  	s26 =	simm.s32 $execute0_lowered;
	[smem:$0x3FD2] =	sst s25  }
0xa8: {  	s6 =	sshll.u32 s26, $0x1;
	_ =	strace $0x80000046;
	[dreg:$0x1] =	wrdreg $0xFFFFFFFF  }
0xa9: {  	s28 =	simm.s32 $_size_execute0_lowered;
	s5 =	sadd.s32 s5, s6;
	[dreg:$0x0] =	wrdreg $0x0  }
0xaa: {  	s6 =	sshll.u32 s28, $0x1;
	[dreg:$0x2] =	wrdreg s5  }
0xab: {  	[dreg:$0x3] =	wrdreg s6  }
0xac: {  	[dreg:$0x4] =	wrdreg $0xC0  }
0xad: {  	_ =	task [dreg:s9], $0x5FFFF  }
0xae: {  	[dreg:$0x1] =	wrdreg $0xFFFFFFFF  }
0xaf: {  	[dreg:$0x0] =	wrdreg $0x60  }
0xb0: {  	[dreg:$0x2] =	wrdreg s19  }
0xb1: {  	[dreg:$0x3] =	wrdreg s2  }
0xb2: {  	[dreg:$0x4] =	wrdreg s4  }
0xb3: {  	[dreg:$0x5] =	wrdreg $0x9  }
0xb4: {  	_ =	task.clear_ibuf [dreg:s9], $0x6FFFF;
	_ =	strace $0x90000046  }
0xb5: {  	s29 =	simm.s32 $0x9;
	_ =	strace $0x80000048  }
0xb6: {  	_ =	swait.ge [sflag:s29], $0x1  }
0xb7: {  	[sflag:s29] =	ssyncadd.s32 $0xFFFFFFFF  }
0xb8: {  	_ =	strace $0x90000048  }
0xb9: {  	_ =	sfence  }
0xba: {  	s30 =	sld [smem:$0x0];
	_ =	sdelay $0x2  }
0xbb: {  	s31 =	sshll.u32 s1, $0xD;
	s1 =	sshrl.u32 s1, $0x2  }
0xbc: {  	s3 =	sand.u32 $0x4000, s31;
	s1 =	sadd.s32 s1, s30  }
0xbd: {  	s0 =	sor.u32 s3, s0;
	s1 =	sshll.u32 s1, $0x11  }
0xbe: {  	s0 =	sor.u32 s1, s0  }
0xbf: {  	s0 =	sadd.s32 $0x8F2B, s0  }
0xc0: {  	[sflag:s0] =	ssyncadd.remote.s32 $0x1  }
0xc1: {  	_ =	sfence.sel $0xFFFF  }
0xc2: {  	[dreg:$0x0] =	wrdreg $0xFFFFFFFF;
	(pc) =	sbr.abs _section_cstart, $3  }
0xc3: {  	[dreg:$0x1] =	wrdreg $0xFFFFFFFF  }
0xc4: {  	_ =	task.clear_ibuf [dreg:s9], $0x2FFFF;
	_ =	strace $0x9FFFFFFF  }
0xc5: {  	(tm) =	ssettm $0x7FFFFFFF  }
tec
execute0_lowered:
.L_overlay_start_1:
0x0: {  	(tag) =	ssettag $0x1  }
0x1: {  	s2 =	rddreg [dreg:$0x0]  }
0x2: {  	s5 =	rddreg [dreg:$0x1]  }
0x3: {  	s16 =	rddreg [dreg:$0x2];
	s3 =	srdreg.scid  }
0x4: {  	s0 =	rddreg [dreg:$0x3];
	s1 =	stileid.u32;
	s17 =	sand.u32 $0x1, s3  }
0x5: {  	s3 =	simm.s32 $0x0;
	s4 =	sshll.u32 s1, $0x7;
	s6 =	sshll.u32 s17, $0x6  }
0x6: {  	[smem:$0x7FF] =	sst s3;
	s15 =	sor.u32 s6, s4  }
0x7: {  	_ =	strace $0x80000047;
	s4 =	sadd.s32 s5, s15;
	s18 =	sor.u32 $0x20, s15  }
0x8: {  	[tilespmem:s3], [sflag:$0x1] =	stream.linear.gather [hbm4b:s4+s3], $0x100, $0x38;
	[tilespmem:$0x400] =	vst v63  }
0x9: {  	s7 =	simm.s32 $0x1;
	s6 =	simm.s32 $0x100;
	s5 =	sadd.s32 s5, s18  }
0xa: {  	[tilespmem:s6], [sflag:$0x1] =	stream.linear.gather [hbm4b:s5+s3], $0x100, $0x38;
	[tilespmem:$0x400] =	vst v63  }
0xb: {  	_ =	swait.ge [sflag:s7], $0x100  }
0xc: {  	[sflag:s7] =	ssyncset.done $0x0  }
0xd: {  	s8 =	simm.s32 $0x80;
	s9 =	simm.s32 $0x200;
	[sflag:s7] =	ssyncadd.s32 $0xFFFFFF00  }
0xe: {  	[tilespmem:s9], [sflag:$0x2] =	stream.indirect.gather [hbm4b:s2+s8], $0x1, s3, s8, $0xb8;
	[tilespmem:$0x400] =	vst v63  }
0xf: {  	s10 =	simm.s32 $0x280  }
0x10: {  	[tilespmem:s10], [sflag:$0x2] =	stream.indirect.gather [hbm4b:s2+s8], $0x1, s8, s8, $0xb8;
	[tilespmem:$0x400] =	vst v63  }
0x11: {  	_ =	swait.ge [sflag:s7], $0x100  }
0x12: {  	[sflag:s7] =	ssyncset.done $0x0  }
0x13: {  	s11 =	simm.s32 $0x300;
	[sflag:s7] =	ssyncadd.s32 $0xFFFFFF00  }
0x14: {  	[tilespmem:s11], [sflag:$0x2] =	stream.indirect.gather [hbm4b:s2+s8], $0x1, s6, s8, $0xb8;
	[tilespmem:$0x400] =	vst v63  }
0x15: {  	s12 =	simm.s32 $0x180;
	s13 =	simm.s32 $0x380;
	s14 =	simm.s32 $0x2  }
0x16: {  	[tilespmem:s13], [sflag:$0x2] =	stream.indirect.gather [hbm4b:s2+s8], $0x1, s12, s8, $0xb8;
	[tilespmem:$0x400] =	vst v63  }
0x17: {  	_ =	swait.ge [sflag:s14], $0x80  }
0x18: {  	[sflag:s14] =	ssyncset.done $0x0  }
0x19: {  	[sflag:s14] =	ssyncadd.s32 $0xFFFFFF80  }
0x1a: {  	_ =	swait.ge [sflag:s14], $0x80  }
0x1b: {  	[sflag:s14] =	ssyncset.done $0x0  }
0x1c: {  	s15 =	sadd.s32 s16, s15;
	[sflag:s14] =	ssyncadd.s32 $0xFFFFFF80  }
0x1d: {  	[hbm4b:s15+s3] =	stream.linear.scatter [tilespmem:s9], [sflag:$0x3], $0x100, $0x38;
	[tilespmem:$0x400] =	vst v63  }
0x1e: {  	_ =	swait.ge [sflag:s14], $0x80  }
0x1f: {  	s19 =	ssub.s32 $0x2, s17;
	[sflag:s14] =	ssyncset.done $0x0  }
0x20: {  	s31 =	sshrl.u32 s19, $0x1;
	[sflag:s14] =	ssyncadd.s32 $0xFFFFFF80  }
0x21: {  	s17 =	sadd.s32 s16, s18;
	s18 =	ssub.s32 s19, s31;
	_ =	swait.ge [sflag:s14], $0x80  }
0x22: {  	s18 =	smax.u32 s18, $0x1;
	[sflag:s14] =	ssyncset.done $0x0  }
0x23: {  	s16 =	simm.s32 $0x3;
	p0 =	sne.s32 s18, $0x1;
	[sflag:s14] =	ssyncadd.s32 $0xFFFFFF80  }
0x24: {  	[hbm4b:s17+s3] =	stream.linear.scatter [tilespmem:s11], [sflag:$0x3], $0x100, $0x38;
	[tilespmem:$0x400] =	vst v63  }
.Ltmp0:
0x25: {  	_ =	swait.ge [sflag:s16], $0x100;
	(pc) =	sbr.rel @!p0 .LBB2_2-.Ltmp0, $4  }
0x26: {  	[sflag:s16] =	ssyncset.done $0x0  }
0x27: {  	[sflag:s16] =	ssyncadd.s32 $0xFFFFFF00  }
0x28: {  	_ =	swait.ge [sflag:s16], $0x100  }
0x29: {  	s18 =	sadd.s32 $0xFFFFFFFF, s18;
	[sflag:s16] =	ssyncset.done $0x0  }
.LBB2_1:
0x2a: {  	p0 =	sne.s32 s18, $0x1;
	s18 =	sadd.s32 $0xFFFFFFFF, s18;
	[sflag:s16] =	ssyncadd.s32 $0xFFFFFF00  }
0x2b: {  	[tilespmem:s3], [sflag:$0x1] =	stream.linear.gather [hbm4b:s4+s3], $0x100, $0x38;
	[tilespmem:$0x400] =	vst v63  }
0x2c: {  	_ = 	snop  }
0x2d: {  	[tilespmem:s6], [sflag:$0x1] =	stream.linear.gather [hbm4b:s5+s3], $0x100, $0x38;
	[tilespmem:$0x400] =	vst v63  }
0x2e: {  	_ =	swait.ge [sflag:s7], $0x100  }
0x2f: {  	[sflag:s7] =	ssyncset.done $0x0  }
0x30: {  	[sflag:s7] =	ssyncadd.s32 $0xFFFFFF00  }
0x31: {  	[tilespmem:s9], [sflag:$0x2] =	stream.indirect.gather [hbm4b:s2+s8], $0x1, s3, s8, $0xb8;
	[tilespmem:$0x400] =	vst v63  }
0x32: {  	_ = 	snop  }
0x33: {  	[tilespmem:s10], [sflag:$0x2] =	stream.indirect.gather [hbm4b:s2+s8], $0x1, s8, s8, $0xb8;
	[tilespmem:$0x400] =	vst v63  }
0x34: {  	_ =	swait.ge [sflag:s7], $0x100  }
0x35: {  	[sflag:s7] =	ssyncset.done $0x0  }
0x36: {  	[sflag:s7] =	ssyncadd.s32 $0xFFFFFF00  }
0x37: {  	[tilespmem:s11], [sflag:$0x2] =	stream.indirect.gather [hbm4b:s2+s8], $0x1, s6, s8, $0xb8;
	[tilespmem:$0x400] =	vst v63  }
0x38: {  	_ = 	snop  }
0x39: {  	[tilespmem:s13], [sflag:$0x2] =	stream.indirect.gather [hbm4b:s2+s8], $0x1, s12, s8, $0xb8;
	[tilespmem:$0x400] =	vst v63  }
0x3a: {  	_ =	swait.ge [sflag:s14], $0x80  }
0x3b: {  	[sflag:s14] =	ssyncset.done $0x0  }
0x3c: {  	[sflag:s14] =	ssyncadd.s32 $0xFFFFFF80  }
0x3d: {  	_ =	swait.ge [sflag:s14], $0x80  }
0x3e: {  	[sflag:s14] =	ssyncset.done $0x0  }
0x3f: {  	[sflag:s14] =	ssyncadd.s32 $0xFFFFFF80  }
0x40: {  	[hbm4b:s15+s3] =	stream.linear.scatter [tilespmem:s9], [sflag:$0x3], $0x100, $0x38;
	[tilespmem:$0x400] =	vst v63  }
0x41: {  	_ =	swait.ge [sflag:s14], $0x80  }
0x42: {  	[sflag:s14] =	ssyncset.done $0x0  }
0x43: {  	[sflag:s14] =	ssyncadd.s32 $0xFFFFFF80  }
0x44: {  	_ =	swait.ge [sflag:s14], $0x80  }
0x45: {  	[sflag:s14] =	ssyncset.done $0x0  }
0x46: {  	[sflag:s14] =	ssyncadd.s32 $0xFFFFFF80  }
0x47: {  	[hbm4b:s17+s3] =	stream.linear.scatter [tilespmem:s11], [sflag:$0x3], $0x100, $0x38;
	[tilespmem:$0x400] =	vst v63  }
.Ltmp1:
0x48: {  	_ =	swait.ge [sflag:s16], $0x100;
	(pc) =	sbr.rel @p0 .LBB2_1-.Ltmp1, $4  }
0x49: {  	[sflag:s16] =	ssyncset.done $0x0  }
0x4a: {  	[sflag:s16] =	ssyncadd.s32 $0xFFFFFF00  }
0x4b: {  	_ =	swait.ge [sflag:s16], $0x100  }
0x4c: {  	[sflag:s16] =	ssyncset.done $0x0  }
.LBB2_2:
0x4d: {  	[sflag:s16] =	ssyncadd.s32 $0xFFFFFF00  }
0x4e: {  	_ =	sfence.sel $0x180000  }
0x4f: {  	[bflag:$0x0] =	sbarrier.arrive $0xFFFF  }
0x50: {  	p0 =	sne.s32 s1, $0x0;
	_ =	strace $0x90000047  }
0x51: {  	s0 =	sadd.s32 @!p0 $0x100000, s0;
	[bflag:$0x2] =	sbarrier.arrive $0xFFFF  }
0x52: {  	[sflag:s0] =	ssyncadd.tile.s32 @!p0 $0x1;
	_ =	shalt  }
.Lfunc_end2:
_tile_overlayer_lowered:
.L_overlay_start_2:
0x53: {  	(tag) =	ssettag $0x2  }
0x54: {  	s0 =	rddreg [dreg:$0x0];
	s2 =	stileid.u32  }
0x55: {  	s1 =	rddreg [dreg:$0x1];
	p0 =	sne.s32 s2, $0x0  }
0x56: {  	s3 =	rddreg [dreg:$0x2];
	[bflag:$0x3] =	sbarrier.arrive $0xFFFF;
	s2 =	simm.s32 @!p0 $0x1C04  }
0x57: {  	[timem:s3], [sflag:s2] =	dma.local @!p0 [hbm:s0], s1  }
0x58: {  	s0 =	simm.s32 @!p0 $0x4  }
0x59: {  	_ =	swait.ge @!p0 [sflag:s0], s1  }
0x5a: {  	s1 =	ssub.s32 @!p0 $0x0, s1;
	[sflag:s0] =	ssyncset.done @!p0 $0x0  }
0x5b: {  	[sflag:s0] =	ssyncadd.s32 @!p0 s1  }
0x5c: {  	[bflag:$0x3] =	sbarrier.arrive $0xFFFF  }
0x5d: {  	_ =	shalt  }

</sc_bundles>
